<compile_context>
chip_gen: v7x
topology: tpu7x:2x2x1
jax: 0.10.2.dev20260603
libtpu: 0.0.44.dev20260713+nightly
codegen_flags: <defaults>
</compile_context>

<pallas_src>
import functools

import jax
import jax.numpy as jnp
from jax import lax
from jax.experimental import pallas as pl
from jax.experimental.pallas import tpu as pltpu
from jax.experimental.pallas import tpu_sc as plsc

B, S, D, H = 2, 8192, 768, 12
DH = D // H
DP = 2 * DH
CHUNK = 128
NC = S // CHUNK
BH = B * H
NROWS = BH * S
NCHUNKS = NROWS // CHUNK
SC_CORES = 2
SC_SUBCORES = 16
NW = SC_CORES * SC_SUBCORES
CPW = NCHUNKS // NW



G = 8
GC = G * CHUNK
GN = NC // G


def _attn_body(qi_ref, kip_ref, kic_ref, q_ref, kp_ref, kc_ref, o_ref):
    kvall = jnp.concatenate([kp_ref[0], kc_ref[0]], axis=0)
    kiall = jnp.concatenate([kip_ref[0], kic_ref[0]], axis=1)
    for i in range(G):
        q = q_ref[0, i * CHUNK:(i + 1) * CHUNK]
        kv = kvall[(G - 1 + i) * CHUNK:(G + 1 + i) * CHUNK]
        ki = kiall[:, (G - 1 + i) * CHUNK:(G + 1 + i) * CHUNK]
        qi = qi_ref[0, i * CHUNK:(i + 1) * CHUNK]
        dots = jax.lax.dot_general(q, kv, (((1,), (1,)), ((), ())),
                                   preferred_element_type=jnp.float32)
        dots = dots * (1.0 / 8.0)
        mask = (qi == ki).astype(jnp.float32)
        dots = dots - 1e5 * mask
        m = jnp.max(dots, axis=1, keepdims=True)
        p = jnp.exp(dots - m)
        s = jnp.sum(p, axis=1, keepdims=True)
        v = kv[:, DH:]
        pv = jax.lax.dot_general(p, v, (((1,), (0,)), ((), ())),
                                 preferred_element_type=jnp.float32)
        pv = pv / s
        o_ref[0, i * CHUNK:(i + 1) * CHUNK] = jnp.concatenate(
            [pv, jnp.zeros((CHUNK, DH), jnp.float32)], axis=1)


def _chunked_attention(sq, skv, qi, ki):
    qi3 = qi.reshape(BH, S, 1)
    ki3 = ki.reshape(BH * GN, 1, GC)
    grid = (BH, GN)
    bspec = lambda imap: pl.BlockSpec((1, GC, DP), imap)
    prev = lambda b, g: (b, (g + GN - 1) % GN, 0)
    cur = lambda b, g: (b, g, 0)
    kiprev = lambda b, g: (b * GN + (g + GN - 1) % GN, 0, 0)
    kicur = lambda b, g: (b * GN + g, 0, 0)
    return pl.pallas_call(
        _attn_body,
        grid=grid,
        in_specs=[
            pl.BlockSpec((1, GC, 1), cur),
            pl.BlockSpec((1, 1, GC), kiprev),
            pl.BlockSpec((1, 1, GC), kicur),
            bspec(cur),
            bspec(prev),
            bspec(cur),
        ],
        out_specs=bspec(cur),
        out_shape=jax.ShapeDtypeStruct((BH, S, DP), jnp.float32),
    )(qi3, ki3, ki3, sq, skv, skv)



_SC_MESH = plsc.VectorSubcoreMesh(
    core_axis_name="c", subcore_axis_name="s",
    num_cores=SC_CORES, num_subcores=SC_SUBCORES)


def _worker_id():
    return lax.axis_index("s") * SC_CORES + lax.axis_index("c")


@functools.partial(
    pl.kernel, mesh=_SC_MESH,
    out_type=[jax.ShapeDtypeStruct((NROWS, DP), jnp.float32)] * 2,
    scratch_types=[
        pltpu.VMEM((CPW, CHUNK), jnp.int32),
        pltpu.VMEM((CHUNK, DP), jnp.float32),
        pltpu.VMEM((CHUNK, DP), jnp.float32),
        pltpu.SemaphoreType.DMA,
        pltpu.SemaphoreType.DMA,
    ],
)
def _sc_gather(q_hbm, kv_hbm, qi_hbm, ki_hbm,
               sq_hbm, skv_hbm, idx_v, rows_a, rows_b, sem_a, sem_b):
    wid = _worker_id()
    for src, idx, dst in ((q_hbm, qi_hbm, sq_hbm),
                          (kv_hbm, ki_hbm, skv_hbm)):
        pltpu.sync_copy(idx.at[pl.ds(wid * CPW, CPW)], idx_v)

        def desc(c, buf, sem, src=src):
            return pltpu.make_async_copy(src.at[idx_v.at[c]], buf, sem)

        def store(c, buf, dst=dst):
            pltpu.sync_copy(buf, dst.at[pl.ds((wid * CPW + c) * CHUNK,
                                              CHUNK)])

        desc(0, rows_a, sem_a).start()

        def body(j, _):
            c0 = 2 * j
            desc(c0 + 1, rows_b, sem_b).start()
            desc(c0, rows_a, sem_a).wait()
            store(c0, rows_a)
            desc(c0 + 2, rows_a, sem_a).start()
            desc(c0 + 1, rows_b, sem_b).wait()
            store(c0 + 1, rows_b)
            return ()
        lax.fori_loop(0, CPW // 2 - 1, body, ())
        desc(CPW - 1, rows_b, sem_b).start()
        desc(CPW - 2, rows_a, sem_a).wait()
        store(CPW - 2, rows_a)
        desc(CPW - 1, rows_b, sem_b).wait()
        store(CPW - 1, rows_b)


@functools.partial(
    pl.kernel, mesh=_SC_MESH,
    out_type=jax.ShapeDtypeStruct((NROWS, DP), jnp.float32),
    scratch_types=[
        pltpu.VMEM((CPW, CHUNK), jnp.int32),
        pltpu.VMEM((CHUNK, DP), jnp.float32),
        pltpu.VMEM((CHUNK, DP), jnp.float32),
        pltpu.SemaphoreType.DMA,
        pltpu.SemaphoreType.DMA,
    ],
)
def _sc_scatter(so_hbm, qi_hbm, o_hbm, idx_v, rows_a, rows_b, sem_a, sem_b):
    wid = _worker_id()
    pltpu.sync_copy(qi_hbm.at[pl.ds(wid * CPW, CPW)], idx_v)

    def load(c, buf):
        pltpu.sync_copy(so_hbm.at[pl.ds((wid * CPW + c) * CHUNK, CHUNK)],
                        buf)

    def desc(c, buf, sem):
        return pltpu.make_async_copy(buf, o_hbm.at[idx_v.at[c]], sem)

    load(0, rows_a)
    desc(0, rows_a, sem_a).start()

    def body(j, _):
        c0 = 2 * j
        load(c0 + 1, rows_b)
        desc(c0 + 1, rows_b, sem_b).start()
        desc(c0, rows_a, sem_a).wait()
        load(c0 + 2, rows_a)
        desc(c0 + 2, rows_a, sem_a).start()
        desc(c0 + 1, rows_b, sem_b).wait()
        return ()
    lax.fori_loop(0, CPW // 2 - 1, body, ())
    load(CPW - 1, rows_b)
    desc(CPW - 1, rows_b, sem_b).start()
    desc(CPW - 2, rows_a, sem_a).wait()
    desc(CPW - 1, rows_b, sem_b).wait()



def _length_normalized(x, epsilon=1e-6):
    variance = jnp.mean(x ** 2, axis=-1, keepdims=True)
    return x / jnp.sqrt(variance + epsilon)


def kernel(hidden_states, Wq, Wk, Wv, Wo, R):
    q64 = jnp.einsum('bsd,dhf->bhsf', hidden_states, Wq).reshape(BH, S, DH)
    k64 = jnp.einsum('bsd,dhf->bhsf', hidden_states, Wk).reshape(BH, S, DH)
    v64 = jnp.einsum('bsd,dhf->bhsf', hidden_states, Wv).reshape(BH, S, DH)
    q_hash = jnp.einsum('nsf,f->ns', _length_normalized(q64), R)
    k_hash = jnp.einsum('nsf,f->ns', _length_normalized(k64), R)
    q = jnp.concatenate([q64, jnp.zeros_like(q64)], axis=-1)
    kv = jnp.concatenate([k64, v64], axis=-1)

    offs = jnp.arange(BH, dtype=jnp.int32)[:, None] * S
    q_idx = jnp.argsort(q_hash, axis=-1).astype(jnp.int32) + offs
    k_idx = jnp.argsort(k_hash, axis=-1).astype(jnp.int32) + offs
    qif = q_idx.reshape(NCHUNKS, CHUNK)
    kif = k_idx.reshape(NCHUNKS, CHUNK)

    sq, skv = _sc_gather(q.reshape(NROWS, DP), kv.reshape(NROWS, DP),
                         qif, kif)
    so = _chunked_attention(sq.reshape(BH, S, DP), skv.reshape(BH, S, DP),
                            q_idx, k_idx)
    o = _sc_scatter(so.reshape(NROWS, DP), qif)
    o = o.reshape(B, H, S, DP)
    Woz = jnp.concatenate([Wo, jnp.zeros_like(Wo)], axis=1)
    return jnp.einsum('bhsf,hfd->bsd', o, Woz)

# --- scband reference (transcript-rebuilt; emitter-appended) ---
"""Pipeline reference for scband-smyrf-self-attention-37512244363938 (READ-ONLY COPY).

The authoritative reference and input builder live on the scoring server;
editing this copy changes nothing except your own understanding.
"""

import jax, jax.numpy as jnp
import numpy as np
from jax.scipy.special import logsumexp

B, S, D, H = 2, 8192, 768, 12
DH = D // H
CHUNK = 128


def length_normalized(x, epsilon=1e-6):
    variance = jnp.mean(x ** 2, axis=-1, keepdims=True)
    return x / jnp.sqrt(variance + epsilon)


def look_adjacent(x, n_before, n_after):
    if n_before == 0 and n_after == 0:
        return x
    slices = []
    for i in range(-n_before, n_after + 1):
        if i == 0:
            slices.append(x)
        else:
            slices.append(jnp.concatenate([x[i:, ...], x[:i, ...]], axis=0))
    return jnp.concatenate(slices, axis=1)


def setup_inputs(seed: int = 0) -> dict:
    key = jax.random.key(seed)
    ks = jax.random.split(key, 6)
    hidden_states = jax.random.normal(ks[0], (B, S, D), dtype=jnp.float32)
    Wq = jax.random.normal(ks[1], (D, H, DH), dtype=jnp.float32) / np.sqrt(D)
    Wk = jax.random.normal(ks[2], (D, H, DH), dtype=jnp.float32) / np.sqrt(D)
    Wv = jax.random.normal(ks[3], (D, H, DH), dtype=jnp.float32) / np.sqrt(D)
    Wo = jax.random.normal(ks[4], (H, DH, D), dtype=jnp.float32) / np.sqrt(D)
    R = jax.random.normal(ks[5], (DH,), dtype=jnp.float32)
    return {"hidden_states": hidden_states, "Wq": Wq, "Wk": Wk, "Wv": Wv, "Wo": Wo, "R": R}


def _attend_chunked(q, k, v, q_info, kv_info):
    # q,k,v: [S, DH] already sorted into balanced clusters of size CHUNK
    nq = q.reshape(-1, CHUNK, DH)
    nk = k.reshape(-1, CHUNK, DH) / jnp.sqrt(DH)
    nv = v.reshape(-1, CHUNK, DH)
    qi = q_info.reshape(-1, CHUNK)
    ki = kv_info.reshape(-1, CHUNK)
    # attend to one adjacent previous chunk (as in look_adjacent with n_chunks_before=1)
    nk = look_adjacent(nk, 1, 0)
    nv = look_adjacent(nv, 1, 0)
    ki = look_adjacent(ki, 1, 0)
    dots = jnp.matmul(nq, jnp.swapaxes(nk, -1, -2))
    # exclude-self masking (mask_self_attention with causal=False, exclude_self=True)
    self_mask = (qi[..., :, None] == ki[..., None, :]).astype(jnp.float32)
    dots = dots - 1e5 * self_mask
    lse = logsumexp(dots, axis=-1, keepdims=True)
    probs = jnp.exp(dots - lse)
    out = jnp.matmul(probs, nv)
    return out.reshape(-1, DH)


def _head_attention(q, k, v, R):
    # SMYRF-style asymmetric LSH clustering: hash length-normalized q/k with a
    # random projection, sort into balanced clusters, chunked attention, unsort.
    q_hash = jnp.dot(length_normalized(q), R)
    k_hash = jnp.dot(length_normalized(k), R)
    q_idx = jax.lax.stop_gradient(jnp.argsort(q_hash))
    k_idx = jax.lax.stop_gradient(jnp.argsort(k_hash))
    sq = jnp.take(q, q_idx, axis=0)
    sk = jnp.take(k, k_idx, axis=0)
    sv = jnp.take(v, k_idx, axis=0)
    so = _attend_chunked(sq, sk, sv, q_idx, k_idx)
    inv = jnp.argsort(q_idx)
    return jnp.take(so, inv, axis=0)


def reference(hidden_states, Wq, Wk, Wv, Wo, R):
    q = jnp.einsum('bsd,dhf->bhsf', hidden_states, Wq)
    k = jnp.einsum('bsd,dhf->bhsf', hidden_states, Wk)
    v = jnp.einsum('bsd,dhf->bhsf', hidden_states, Wv)
    per_head = jax.vmap(jax.vmap(lambda qq, kk, vv: _head_attention(qq, kk, vv, R)))
    o = per_head(q, k, v)  # [B, H, S, DH]
    out = jnp.einsum('bhsf,hfd->bsd', o, Wo)
    return out

if __name__ == "__main__":
    import jax
    _d = setup_inputs()
    print(jax.jit(kernel)(*tuple(_d.values())))

</pallas_src>

<mosaic_0001>
#map = affine_map<(d0, d1) -> (0, 0)>
module attributes {stable_mosaic.version = 14 : i64} {
  func.func @_sc_gather(%arg0: i32, %arg1: i32, %arg2: memref<196608x128xf32, #tpu.memory_space<hbm>>, %arg3: memref<196608x128xf32, #tpu.memory_space<hbm>>, %arg4: memref<1536x128xi32, #tpu.memory_space<hbm>>, %arg5: memref<1536x128xi32, #tpu.memory_space<hbm>>, %arg6: memref<196608x128xf32, #tpu.memory_space<hbm>>, %arg7: memref<196608x128xf32, #tpu.memory_space<hbm>>, %arg8: memref<48x128xi32, #tpu.memory_space<vmem>>, %arg9: memref<128x128xf32, #tpu.memory_space<vmem>>, %arg10: memref<128x128xf32, #tpu.memory_space<vmem>>, %arg11: memref<!tpu.dma_semaphore, #tpu.memory_space<semaphore_mem>>, %arg12: memref<!tpu.dma_semaphore, #tpu.memory_space<semaphore_mem>>) attributes {dimension_semantics = [#tpu.dimension_semantics<core_parallel>, #tpu.dimension_semantics<subcore_parallel>], iteration_bounds = array<i64: 2, 16>, scalar_prefetch = 0 : i64, scratch_operands = 5 : i64, tpu.core_type = #tpu.core_type<sc_vector_subcore>, window_params = [{transform_indices = #map}, {transform_indices = #map}, {transform_indices = #map}, {transform_indices = #map}, {transform_indices = #map}, {transform_indices = #map}]} {
    %mul3A = arith.constant 2 : i32
    %mul3A_0 = arith.muli %arg1, %mul3A : i32
    %add3A = arith.addi %mul3A_0, %arg0 : i32
    %mul3A_1 = arith.constant 48 : i32
    %mul3A_2 = arith.muli %add3A, %mul3A_1 : i32
    "tpu.region"() ({
      %run_scoped3A = tpu.sem_alloc : memref<!tpu.dma_semaphore, #tpu.memory_space<semaphore_mem>>
      %dma_start3A_92 = arith.constant 0 : i32
      %dma_start3A_93 = tpu.memref_slice %arg4[%mul3A_2, %dma_start3A_92] : memref<1536x128xi32, #tpu.memory_space<hbm>> -> memref<48x128xi32, #tpu.memory_space<hbm>>
      %dma_start3A_94 = arith.constant 0 : i32
      %dma_start3A_95 = tpu.memref_slice %arg4[%mul3A_2, %dma_start3A_94] : memref<1536x128xi32, #tpu.memory_space<hbm>> -> memref<48x128xi32, #tpu.memory_space<hbm>>
      tpu.enqueue_dma source(%dma_start3A_95 : memref<48x128xi32, #tpu.memory_space<hbm>>) target(%arg8 : memref<48x128xi32, #tpu.memory_space<vmem>>) target_semaphore(%run_scoped3A : memref<!tpu.dma_semaphore, #tpu.memory_space<semaphore_mem>>)
      %dma_wait3A_96 = arith.constant 0 : i32
      %dma_wait3A_97 = tpu.memref_slice %arg4[%mul3A_2, %dma_wait3A_96] : memref<1536x128xi32, #tpu.memory_space<hbm>> -> memref<48x128xi32, #tpu.memory_space<hbm>>
      %dma_wait3A_98 = arith.constant 0 : i32
      %dma_wait3A_99 = tpu.memref_slice %arg4[%mul3A_2, %dma_wait3A_98] : memref<1536x128xi32, #tpu.memory_space<hbm>> -> memref<48x128xi32, #tpu.memory_space<hbm>>
      tpu.wait_dma2 semaphore(%run_scoped3A : memref<!tpu.dma_semaphore, #tpu.memory_space<semaphore_mem>>) src(%dma_wait3A_99 : memref<48x128xi32, #tpu.memory_space<hbm>>) dst(%arg8 : memref<48x128xi32, #tpu.memory_space<vmem>>)
      tpu.yield
    }) : () -> ()
    %dma_start3A = arith.constant 0 : i32
    %dma_start3A_3 = arith.constant 0 : i32
    %dma_start3A_4 = tpu.memref_slice %arg8[%dma_start3A, %dma_start3A_3] : memref<48x128xi32, #tpu.memory_space<vmem>> -> memref<1x128xi32, #tpu.memory_space<vmem>>
    %dma_start3A_5 = tpu.memref_squeeze %dma_start3A_4 : memref<1x128xi32, #tpu.memory_space<vmem>> -> memref<128xi32, #tpu.memory_space<vmem>>
    %dma_start3A_6 = arith.constant 0 : i32
    %dma_start3A_7 = arith.constant 0 : i32
    %dma_start3A_8 = tpu.memref_slice %arg2[%dma_start3A_6, %dma_start3A_7] : memref<196608x128xf32, #tpu.memory_space<hbm>> -> memref<196608x128xf32, #tpu.memory_space<hbm>>
    tpu.enqueue_indirect_dma source(%dma_start3A_8 : memref<196608x128xf32, #tpu.memory_space<hbm>>) target(%arg9 : memref<128x128xf32, #tpu.memory_space<vmem>>) offsets(%dma_start3A_5 : memref<128xi32, #tpu.memory_space<vmem>>) semaphore(%arg11 : memref<!tpu.dma_semaphore, #tpu.memory_space<semaphore_mem>>)
    %scan3A = arith.constant 0 : i32
    %scan3A_9 = arith.constant 23 : i32
    %scan3A_10 = arith.addi %scan3A, %scan3A_9 : i32
    %scan3A_11 = arith.constant 1 : i32
    scf.for %scan3A_92 = %scan3A to %scan3A_10 step %scan3A_11  : i32 {
      %mul3A_93 = arith.constant 2 : i32
      %mul3A_94 = arith.muli %mul3A_93, %scan3A_92 : i32
      %add3A_95 = arith.constant 1 : i32
      %add3A_96 = arith.addi %mul3A_94, %add3A_95 : i32
      %dma_start3A_97 = arith.constant 0 : i32
      %dma_start3A_98 = tpu.memref_slice %arg8[%add3A_96, %dma_start3A_97] : memref<48x128xi32, #tpu.memory_space<vmem>> -> memref<1x128xi32, #tpu.memory_space<vmem>>
      %dma_start3A_99 = tpu.memref_squeeze %dma_start3A_98 : memref<1x128xi32, #tpu.memory_space<vmem>> -> memref<128xi32, #tpu.memory_space<vmem>>
      %dma_start3A_100 = arith.constant 0 : i32
      %dma_start3A_101 = arith.constant 0 : i32
      %dma_start3A_102 = tpu.memref_slice %arg2[%dma_start3A_100, %dma_start3A_101] : memref<196608x128xf32, #tpu.memory_space<hbm>> -> memref<196608x128xf32, #tpu.memory_space<hbm>>
      tpu.enqueue_indirect_dma source(%dma_start3A_102 : memref<196608x128xf32, #tpu.memory_space<hbm>>) target(%arg10 : memref<128x128xf32, #tpu.memory_space<vmem>>) offsets(%dma_start3A_99 : memref<128xi32, #tpu.memory_space<vmem>>) semaphore(%arg12 : memref<!tpu.dma_semaphore, #tpu.memory_space<semaphore_mem>>)
      %dma_wait3A_103 = arith.constant 0 : i32
      %dma_wait3A_104 = tpu.memref_slice %arg8[%mul3A_94, %dma_wait3A_103] : memref<48x128xi32, #tpu.memory_space<vmem>> -> memref<1x128xi32, #tpu.memory_space<vmem>>
      %dma_wait3A_105 = tpu.memref_squeeze %dma_wait3A_104 : memref<1x128xi32, #tpu.memory_space<vmem>> -> memref<128xi32, #tpu.memory_space<vmem>>
      %dma_wait3A_106 = arith.constant 0 : i32
      %dma_wait3A_107 = arith.constant 0 : i32
      %dma_wait3A_108 = tpu.memref_slice %arg2[%dma_wait3A_106, %dma_wait3A_107] : memref<196608x128xf32, #tpu.memory_space<hbm>> -> memref<196608x128xf32, #tpu.memory_space<hbm>>
      tpu.wait_indirect_dma semaphore(%arg11 : memref<!tpu.dma_semaphore, #tpu.memory_space<semaphore_mem>>) src(%dma_wait3A_108 : memref<196608x128xf32, #tpu.memory_space<hbm>>) dst(%arg9 : memref<128x128xf32, #tpu.memory_space<vmem>>)
      %mul3A_109 = arith.constant 48 : i32
      %mul3A_110 = arith.muli %add3A, %mul3A_109 : i32
      %add3A_111 = arith.addi %mul3A_110, %mul3A_94 : i32
      %mul3A_112 = arith.constant 128 : i32
      %mul3A_113 = arith.muli %add3A_111, %mul3A_112 : i32
      "tpu.region"() ({
        %run_scoped3A = tpu.sem_alloc : memref<!tpu.dma_semaphore, #tpu.memory_space<semaphore_mem>>
        %dma_start3A_137 = arith.constant 0 : i32
        %dma_start3A_138 = tpu.memref_slice %arg6[%mul3A_113, %dma_start3A_137] : memref<196608x128xf32, #tpu.memory_space<hbm>> -> memref<128x128xf32, #tpu.memory_space<hbm>>
        %dma_start3A_139 = arith.constant 0 : i32
        %dma_start3A_140 = tpu.memref_slice %arg6[%mul3A_113, %dma_start3A_139] : memref<196608x128xf32, #tpu.memory_space<hbm>> -> memref<128x128xf32, #tpu.memory_space<hbm>>
        tpu.enqueue_dma source(%arg9 : memref<128x128xf32, #tpu.memory_space<vmem>>) target(%dma_start3A_140 : memref<128x128xf32, #tpu.memory_space<hbm>>) target_semaphore(%run_scoped3A : memref<!tpu.dma_semaphore, #tpu.memory_space<semaphore_mem>>)
        %dma_wait3A_141 = arith.constant 0 : i32
        %dma_wait3A_142 = tpu.memref_slice %arg6[%mul3A_113, %dma_wait3A_141] : memref<196608x128xf32, #tpu.memory_space<hbm>> -> memref<128x128xf32, #tpu.memory_space<hbm>>
        %dma_wait3A_143 = arith.constant 0 : i32
        %dma_wait3A_144 = tpu.memref_slice %arg6[%mul3A_113, %dma_wait3A_143] : memref<196608x128xf32, #tpu.memory_space<hbm>> -> memref<128x128xf32, #tpu.memory_space<hbm>>
        tpu.wait_dma2 semaphore(%run_scoped3A : memref<!tpu.dma_semaphore, #tpu.memory_space<semaphore_mem>>) src(%arg9 : memref<128x128xf32, #tpu.memory_space<vmem>>) dst(%dma_wait3A_144 : memref<128x128xf32, #tpu.memory_space<hbm>>)
        tpu.yield
      }) : () -> ()
      %add3A_114 = arith.constant 2 : i32
      %add3A_115 = arith.addi %mul3A_94, %add3A_114 : i32
      %dma_start3A_116 = arith.constant 0 : i32
      %dma_start3A_117 = tpu.memref_slice %arg8[%add3A_115, %dma_start3A_116] : memref<48x128xi32, #tpu.memory_space<vmem>> -> memref<1x128xi32, #tpu.memory_space<vmem>>
      %dma_start3A_118 = tpu.memref_squeeze %dma_start3A_117 : memref<1x128xi32, #tpu.memory_space<vmem>> -> memref<128xi32, #tpu.memory_space<vmem>>
      %dma_start3A_119 = arith.constant 0 : i32
      %dma_start3A_120 = arith.constant 0 : i32
      %dma_start3A_121 = tpu.memref_slice %arg2[%dma_start3A_119, %dma_start3A_120] : memref<196608x128xf32, #tpu.memory_space<hbm>> -> memref<196608x128xf32, #tpu.memory_space<hbm>>
      tpu.enqueue_indirect_dma source(%dma_start3A_121 : memref<196608x128xf32, #tpu.memory_space<hbm>>) target(%arg9 : memref<128x128xf32, #tpu.memory_space<vmem>>) offsets(%dma_start3A_118 : memref<128xi32, #tpu.memory_space<vmem>>) semaphore(%arg11 : memref<!tpu.dma_semaphore, #tpu.memory_space<semaphore_mem>>)
      %add3A_122 = arith.constant 1 : i32
      %add3A_123 = arith.addi %mul3A_94, %add3A_122 : i32
      %dma_wait3A_124 = arith.constant 0 : i32
      %dma_wait3A_125 = tpu.memref_slice %arg8[%add3A_123, %dma_wait3A_124] : memref<48x128xi32, #tpu.memory_space<vmem>> -> memref<1x128xi32, #tpu.memory_space<vmem>>
      %dma_wait3A_126 = tpu.memref_squeeze %dma_wait3A_125 : memref<1x128xi32, #tpu.memory_space<vmem>> -> memref<128xi32, #tpu.memory_space<vmem>>
      %dma_wait3A_127 = arith.constant 0 : i32
      %dma_wait3A_128 = arith.constant 0 : i32
      %dma_wait3A_129 = tpu.memref_slice %arg2[%dma_wait3A_127, %dma_wait3A_128] : memref<196608x128xf32, #tpu.memory_space<hbm>> -> memref<196608x128xf32, #tpu.memory_space<hbm>>
      tpu.wait_indirect_dma semaphore(%arg12 : memref<!tpu.dma_semaphore, #tpu.memory_space<semaphore_mem>>) src(%dma_wait3A_129 : memref<196608x128xf32, #tpu.memory_space<hbm>>) dst(%arg10 : memref<128x128xf32, #tpu.memory_space<vmem>>)
      %add3A_130 = arith.constant 1 : i32
      %add3A_131 = arith.addi %mul3A_94, %add3A_130 : i32
      %mul3A_132 = arith.constant 48 : i32
      %mul3A_133 = arith.muli %add3A, %mul3A_132 : i32
      %add3A_134 = arith.addi %mul3A_133, %add3A_131 : i32
      %mul3A_135 = arith.constant 128 : i32
      %mul3A_136 = arith.muli %add3A_134, %mul3A_135 : i32
      "tpu.region"() ({
        %run_scoped3A = tpu.sem_alloc : memref<!tpu.dma_semaphore, #tpu.memory_space<semaphore_mem>>
        %dma_start3A_137 = arith.constant 0 : i32
        %dma_start3A_138 = tpu.memref_slice %arg6[%mul3A_136, %dma_start3A_137] : memref<196608x128xf32, #tpu.memory_space<hbm>> -> memref<128x128xf32, #tpu.memory_space<hbm>>
        %dma_start3A_139 = arith.constant 0 : i32
        %dma_start3A_140 = tpu.memref_slice %arg6[%mul3A_136, %dma_start3A_139] : memref<196608x128xf32, #tpu.memory_space<hbm>> -> memref<128x128xf32, #tpu.memory_space<hbm>>
        tpu.enqueue_dma source(%arg10 : memref<128x128xf32, #tpu.memory_space<vmem>>) target(%dma_start3A_140 : memref<128x128xf32, #tpu.memory_space<hbm>>) target_semaphore(%run_scoped3A : memref<!tpu.dma_semaphore, #tpu.memory_space<semaphore_mem>>)
        %dma_wait3A_141 = arith.constant 0 : i32
        %dma_wait3A_142 = tpu.memref_slice %arg6[%mul3A_136, %dma_wait3A_141] : memref<196608x128xf32, #tpu.memory_space<hbm>> -> memref<128x128xf32, #tpu.memory_space<hbm>>
        %dma_wait3A_143 = arith.constant 0 : i32
        %dma_wait3A_144 = tpu.memref_slice %arg6[%mul3A_136, %dma_wait3A_143] : memref<196608x128xf32, #tpu.memory_space<hbm>> -> memref<128x128xf32, #tpu.memory_space<hbm>>
        tpu.wait_dma2 semaphore(%run_scoped3A : memref<!tpu.dma_semaphore, #tpu.memory_space<semaphore_mem>>) src(%arg10 : memref<128x128xf32, #tpu.memory_space<vmem>>) dst(%dma_wait3A_144 : memref<128x128xf32, #tpu.memory_space<hbm>>)
        tpu.yield
      }) : () -> ()
    }
    %scan3A_12 = arith.constant 23 : i32
    %dma_start3A_13 = arith.constant 47 : i32
    %dma_start3A_14 = arith.constant 0 : i32
    %dma_start3A_15 = tpu.memref_slice %arg8[%dma_start3A_13, %dma_start3A_14] : memref<48x128xi32, #tpu.memory_space<vmem>> -> memref<1x128xi32, #tpu.memory_space<vmem>>
    %dma_start3A_16 = tpu.memref_squeeze %dma_start3A_15 : memref<1x128xi32, #tpu.memory_space<vmem>> -> memref<128xi32, #tpu.memory_space<vmem>>
    %dma_start3A_17 = arith.constant 0 : i32
    %dma_start3A_18 = arith.constant 0 : i32
    %dma_start3A_19 = tpu.memref_slice %arg2[%dma_start3A_17, %dma_start3A_18] : memref<196608x128xf32, #tpu.memory_space<hbm>> -> memref<196608x128xf32, #tpu.memory_space<hbm>>
    tpu.enqueue_indirect_dma source(%dma_start3A_19 : memref<196608x128xf32, #tpu.memory_space<hbm>>) target(%arg10 : memref<128x128xf32, #tpu.memory_space<vmem>>) offsets(%dma_start3A_16 : memref<128xi32, #tpu.memory_space<vmem>>) semaphore(%arg12 : memref<!tpu.dma_semaphore, #tpu.memory_space<semaphore_mem>>)
    %dma_wait3A = arith.constant 46 : i32
    %dma_wait3A_20 = arith.constant 0 : i32
    %dma_wait3A_21 = tpu.memref_slice %arg8[%dma_wait3A, %dma_wait3A_20] : memref<48x128xi32, #tpu.memory_space<vmem>> -> memref<1x128xi32, #tpu.memory_space<vmem>>
    %dma_wait3A_22 = tpu.memref_squeeze %dma_wait3A_21 : memref<1x128xi32, #tpu.memory_space<vmem>> -> memref<128xi32, #tpu.memory_space<vmem>>
    %dma_wait3A_23 = arith.constant 0 : i32
    %dma_wait3A_24 = arith.constant 0 : i32
    %dma_wait3A_25 = tpu.memref_slice %arg2[%dma_wait3A_23, %dma_wait3A_24] : memref<196608x128xf32, #tpu.memory_space<hbm>> -> memref<196608x128xf32, #tpu.memory_space<hbm>>
    tpu.wait_indirect_dma semaphore(%arg11 : memref<!tpu.dma_semaphore, #tpu.memory_space<semaphore_mem>>) src(%dma_wait3A_25 : memref<196608x128xf32, #tpu.memory_space<hbm>>) dst(%arg9 : memref<128x128xf32, #tpu.memory_space<vmem>>)
    %mul3A_26 = arith.constant 48 : i32
    %mul3A_27 = arith.muli %add3A, %mul3A_26 : i32
    %add3A_28 = arith.constant 46 : i32
    %add3A_29 = arith.addi %mul3A_27, %add3A_28 : i32
    %mul3A_30 = arith.constant 128 : i32
    %mul3A_31 = arith.muli %add3A_29, %mul3A_30 : i32
    "tpu.region"() ({
      %run_scoped3A = tpu.sem_alloc : memref<!tpu.dma_semaphore, #tpu.memory_space<semaphore_mem>>
      %dma_start3A_92 = arith.constant 0 : i32
      %dma_start3A_93 = tpu.memref_slice %arg6[%mul3A_31, %dma_start3A_92] : memref<196608x128xf32, #tpu.memory_space<hbm>> -> memref<128x128xf32, #tpu.memory_space<hbm>>
      %dma_start3A_94 = arith.constant 0 : i32
      %dma_start3A_95 = tpu.memref_slice %arg6[%mul3A_31, %dma_start3A_94] : memref<196608x128xf32, #tpu.memory_space<hbm>> -> memref<128x128xf32, #tpu.memory_space<hbm>>
      tpu.enqueue_dma source(%arg9 : memref<128x128xf32, #tpu.memory_space<vmem>>) target(%dma_start3A_95 : memref<128x128xf32, #tpu.memory_space<hbm>>) target_semaphore(%run_scoped3A : memref<!tpu.dma_semaphore, #tpu.memory_space<semaphore_mem>>)
      %dma_wait3A_96 = arith.constant 0 : i32
      %dma_wait3A_97 = tpu.memref_slice %arg6[%mul3A_31, %dma_wait3A_96] : memref<196608x128xf32, #tpu.memory_space<hbm>> -> memref<128x128xf32, #tpu.memory_space<hbm>>
      %dma_wait3A_98 = arith.constant 0 : i32
      %dma_wait3A_99 = tpu.memref_slice %arg6[%mul3A_31, %dma_wait3A_98] : memref<196608x128xf32, #tpu.memory_space<hbm>> -> memref<128x128xf32, #tpu.memory_space<hbm>>
      tpu.wait_dma2 semaphore(%run_scoped3A : memref<!tpu.dma_semaphore, #tpu.memory_space<semaphore_mem>>) src(%arg9 : memref<128x128xf32, #tpu.memory_space<vmem>>) dst(%dma_wait3A_99 : memref<128x128xf32, #tpu.memory_space<hbm>>)
      tpu.yield
    }) : () -> ()
    %dma_wait3A_32 = arith.constant 47 : i32
    %dma_wait3A_33 = arith.constant 0 : i32
    %dma_wait3A_34 = tpu.memref_slice %arg8[%dma_wait3A_32, %dma_wait3A_33] : memref<48x128xi32, #tpu.memory_space<vmem>> -> memref<1x128xi32, #tpu.memory_space<vmem>>
    %dma_wait3A_35 = tpu.memref_squeeze %dma_wait3A_34 : memref<1x128xi32, #tpu.memory_space<vmem>> -> memref<128xi32, #tpu.memory_space<vmem>>
    %dma_wait3A_36 = arith.constant 0 : i32
    %dma_wait3A_37 = arith.constant 0 : i32
    %dma_wait3A_38 = tpu.memref_slice %arg2[%dma_wait3A_36, %dma_wait3A_37] : memref<196608x128xf32, #tpu.memory_space<hbm>> -> memref<196608x128xf32, #tpu.memory_space<hbm>>
    tpu.wait_indirect_dma semaphore(%arg12 : memref<!tpu.dma_semaphore, #tpu.memory_space<semaphore_mem>>) src(%dma_wait3A_38 : memref<196608x128xf32, #tpu.memory_space<hbm>>) dst(%arg10 : memref<128x128xf32, #tpu.memory_space<vmem>>)
    %mul3A_39 = arith.constant 48 : i32
    %mul3A_40 = arith.muli %add3A, %mul3A_39 : i32
    %add3A_41 = arith.constant 47 : i32
    %add3A_42 = arith.addi %mul3A_40, %add3A_41 : i32
    %mul3A_43 = arith.constant 128 : i32
    %mul3A_44 = arith.muli %add3A_42, %mul3A_43 : i32
    "tpu.region"() ({
      %run_scoped3A = tpu.sem_alloc : memref<!tpu.dma_semaphore, #tpu.memory_space<semaphore_mem>>
      %dma_start3A_92 = arith.constant 0 : i32
      %dma_start3A_93 = tpu.memref_slice %arg6[%mul3A_44, %dma_start3A_92] : memref<196608x128xf32, #tpu.memory_space<hbm>> -> memref<128x128xf32, #tpu.memory_space<hbm>>
      %dma_start3A_94 = arith.constant 0 : i32
      %dma_start3A_95 = tpu.memref_slice %arg6[%mul3A_44, %dma_start3A_94] : memref<196608x128xf32, #tpu.memory_space<hbm>> -> memref<128x128xf32, #tpu.memory_space<hbm>>
      tpu.enqueue_dma source(%arg10 : memref<128x128xf32, #tpu.memory_space<vmem>>) target(%dma_start3A_95 : memref<128x128xf32, #tpu.memory_space<hbm>>) target_semaphore(%run_scoped3A : memref<!tpu.dma_semaphore, #tpu.memory_space<semaphore_mem>>)
      %dma_wait3A_96 = arith.constant 0 : i32
      %dma_wait3A_97 = tpu.memref_slice %arg6[%mul3A_44, %dma_wait3A_96] : memref<196608x128xf32, #tpu.memory_space<hbm>> -> memref<128x128xf32, #tpu.memory_space<hbm>>
      %dma_wait3A_98 = arith.constant 0 : i32
      %dma_wait3A_99 = tpu.memref_slice %arg6[%mul3A_44, %dma_wait3A_98] : memref<196608x128xf32, #tpu.memory_space<hbm>> -> memref<128x128xf32, #tpu.memory_space<hbm>>
      tpu.wait_dma2 semaphore(%run_scoped3A : memref<!tpu.dma_semaphore, #tpu.memory_space<semaphore_mem>>) src(%arg10 : memref<128x128xf32, #tpu.memory_space<vmem>>) dst(%dma_wait3A_99 : memref<128x128xf32, #tpu.memory_space<hbm>>)
      tpu.yield
    }) : () -> ()
    %mul3A_45 = arith.constant 48 : i32
    %mul3A_46 = arith.muli %add3A, %mul3A_45 : i32
    "tpu.region"() ({
      %run_scoped3A = tpu.sem_alloc : memref<!tpu.dma_semaphore, #tpu.memory_space<semaphore_mem>>
      %dma_start3A_92 = arith.constant 0 : i32
      %dma_start3A_93 = tpu.memref_slice %arg5[%mul3A_46, %dma_start3A_92] : memref<1536x128xi32, #tpu.memory_space<hbm>> -> memref<48x128xi32, #tpu.memory_space<hbm>>
      %dma_start3A_94 = arith.constant 0 : i32
      %dma_start3A_95 = tpu.memref_slice %arg5[%mul3A_46, %dma_start3A_94] : memref<1536x128xi32, #tpu.memory_space<hbm>> -> memref<48x128xi32, #tpu.memory_space<hbm>>
      tpu.enqueue_dma source(%dma_start3A_95 : memref<48x128xi32, #tpu.memory_space<hbm>>) target(%arg8 : memref<48x128xi32, #tpu.memory_space<vmem>>) target_semaphore(%run_scoped3A : memref<!tpu.dma_semaphore, #tpu.memory_space<semaphore_mem>>)
      %dma_wait3A_96 = arith.constant 0 : i32
      %dma_wait3A_97 = tpu.memref_slice %arg5[%mul3A_46, %dma_wait3A_96] : memref<1536x128xi32, #tpu.memory_space<hbm>> -> memref<48x128xi32, #tpu.memory_space<hbm>>
      %dma_wait3A_98 = arith.constant 0 : i32
      %dma_wait3A_99 = tpu.memref_slice %arg5[%mul3A_46, %dma_wait3A_98] : memref<1536x128xi32, #tpu.memory_space<hbm>> -> memref<48x128xi32, #tpu.memory_space<hbm>>
      tpu.wait_dma2 semaphore(%run_scoped3A : memref<!tpu.dma_semaphore, #tpu.memory_space<semaphore_mem>>) src(%dma_wait3A_99 : memref<48x128xi32, #tpu.memory_space<hbm>>) dst(%arg8 : memref<48x128xi32, #tpu.memory_space<vmem>>)
      tpu.yield
    }) : () -> ()
    %dma_start3A_47 = arith.constant 0 : i32
    %dma_start3A_48 = arith.constant 0 : i32
    %dma_start3A_49 = tpu.memref_slice %arg8[%dma_start3A_47, %dma_start3A_48] : memref<48x128xi32, #tpu.memory_space<vmem>> -> memref<1x128xi32, #tpu.memory_space<vmem>>
    %dma_start3A_50 = tpu.memref_squeeze %dma_start3A_49 : memref<1x128xi32, #tpu.memory_space<vmem>> -> memref<128xi32, #tpu.memory_space<vmem>>
    %dma_start3A_51 = arith.constant 0 : i32
    %dma_start3A_52 = arith.constant 0 : i32
    %dma_start3A_53 = tpu.memref_slice %arg3[%dma_start3A_51, %dma_start3A_52] : memref<196608x128xf32, #tpu.memory_space<hbm>> -> memref<196608x128xf32, #tpu.memory_space<hbm>>
    tpu.enqueue_indirect_dma source(%dma_start3A_53 : memref<196608x128xf32, #tpu.memory_space<hbm>>) target(%arg9 : memref<128x128xf32, #tpu.memory_space<vmem>>) offsets(%dma_start3A_50 : memref<128xi32, #tpu.memory_space<vmem>>) semaphore(%arg11 : memref<!tpu.dma_semaphore, #tpu.memory_space<semaphore_mem>>)
    %scan3A_54 = arith.constant 0 : i32
    %scan3A_55 = arith.constant 23 : i32
    %scan3A_56 = arith.addi %scan3A_54, %scan3A_55 : i32
    %scan3A_57 = arith.constant 1 : i32
    scf.for %scan3A_92 = %scan3A_54 to %scan3A_56 step %scan3A_57  : i32 {
      %mul3A_93 = arith.constant 2 : i32
      %mul3A_94 = arith.muli %mul3A_93, %scan3A_92 : i32
      %add3A_95 = arith.constant 1 : i32
      %add3A_96 = arith.addi %mul3A_94, %add3A_95 : i32
      %dma_start3A_97 = arith.constant 0 : i32
      %dma_start3A_98 = tpu.memref_slice %arg8[%add3A_96, %dma_start3A_97] : memref<48x128xi32, #tpu.memory_space<vmem>> -> memref<1x128xi32, #tpu.memory_space<vmem>>
      %dma_start3A_99 = tpu.memref_squeeze %dma_start3A_98 : memref<1x128xi32, #tpu.memory_space<vmem>> -> memref<128xi32, #tpu.memory_space<vmem>>
      %dma_start3A_100 = arith.constant 0 : i32
      %dma_start3A_101 = arith.constant 0 : i32
      %dma_start3A_102 = tpu.memref_slice %arg3[%dma_start3A_100, %dma_start3A_101] : memref<196608x128xf32, #tpu.memory_space<hbm>> -> memref<196608x128xf32, #tpu.memory_space<hbm>>
      tpu.enqueue_indirect_dma source(%dma_start3A_102 : memref<196608x128xf32, #tpu.memory_space<hbm>>) target(%arg10 : memref<128x128xf32, #tpu.memory_space<vmem>>) offsets(%dma_start3A_99 : memref<128xi32, #tpu.memory_space<vmem>>) semaphore(%arg12 : memref<!tpu.dma_semaphore, #tpu.memory_space<semaphore_mem>>)
      %dma_wait3A_103 = arith.constant 0 : i32
      %dma_wait3A_104 = tpu.memref_slice %arg8[%mul3A_94, %dma_wait3A_103] : memref<48x128xi32, #tpu.memory_space<vmem>> -> memref<1x128xi32, #tpu.memory_space<vmem>>
      %dma_wait3A_105 = tpu.memref_squeeze %dma_wait3A_104 : memref<1x128xi32, #tpu.memory_space<vmem>> -> memref<128xi32, #tpu.memory_space<vmem>>
      %dma_wait3A_106 = arith.constant 0 : i32
      %dma_wait3A_107 = arith.constant 0 : i32
      %dma_wait3A_108 = tpu.memref_slice %arg3[%dma_wait3A_106, %dma_wait3A_107] : memref<196608x128xf32, #tpu.memory_space<hbm>> -> memref<196608x128xf32, #tpu.memory_space<hbm>>
      tpu.wait_indirect_dma semaphore(%arg11 : memref<!tpu.dma_semaphore, #tpu.memory_space<semaphore_mem>>) src(%dma_wait3A_108 : memref<196608x128xf32, #tpu.memory_space<hbm>>) dst(%arg9 : memref<128x128xf32, #tpu.memory_space<vmem>>)
      %mul3A_109 = arith.constant 48 : i32
      %mul3A_110 = arith.muli %add3A, %mul3A_109 : i32
      %add3A_111 = arith.addi %mul3A_110, %mul3A_94 : i32
      %mul3A_112 = arith.constant 128 : i32
      %mul3A_113 = arith.muli %add3A_111, %mul3A_112 : i32
      "tpu.region"() ({
        %run_scoped3A = tpu.sem_alloc : memref<!tpu.dma_semaphore, #tpu.memory_space<semaphore_mem>>
        %dma_start3A_137 = arith.constant 0 : i32
        %dma_start3A_138 = tpu.memref_slice %arg7[%mul3A_113, %dma_start3A_137] : memref<196608x128xf32, #tpu.memory_space<hbm>> -> memref<128x128xf32, #tpu.memory_space<hbm>>
        %dma_start3A_139 = arith.constant 0 : i32
        %dma_start3A_140 = tpu.memref_slice %arg7[%mul3A_113, %dma_start3A_139] : memref<196608x128xf32, #tpu.memory_space<hbm>> -> memref<128x128xf32, #tpu.memory_space<hbm>>
        tpu.enqueue_dma source(%arg9 : memref<128x128xf32, #tpu.memory_space<vmem>>) target(%dma_start3A_140 : memref<128x128xf32, #tpu.memory_space<hbm>>) target_semaphore(%run_scoped3A : memref<!tpu.dma_semaphore, #tpu.memory_space<semaphore_mem>>)
        %dma_wait3A_141 = arith.constant 0 : i32
        %dma_wait3A_142 = tpu.memref_slice %arg7[%mul3A_113, %dma_wait3A_141] : memref<196608x128xf32, #tpu.memory_space<hbm>> -> memref<128x128xf32, #tpu.memory_space<hbm>>
        %dma_wait3A_143 = arith.constant 0 : i32
        %dma_wait3A_144 = tpu.memref_slice %arg7[%mul3A_113, %dma_wait3A_143] : memref<196608x128xf32, #tpu.memory_space<hbm>> -> memref<128x128xf32, #tpu.memory_space<hbm>>
        tpu.wait_dma2 semaphore(%run_scoped3A : memref<!tpu.dma_semaphore, #tpu.memory_space<semaphore_mem>>) src(%arg9 : memref<128x128xf32, #tpu.memory_space<vmem>>) dst(%dma_wait3A_144 : memref<128x128xf32, #tpu.memory_space<hbm>>)
        tpu.yield
      }) : () -> ()
      %add3A_114 = arith.constant 2 : i32
      %add3A_115 = arith.addi %mul3A_94, %add3A_114 : i32
      %dma_start3A_116 = arith.constant 0 : i32
      %dma_start3A_117 = tpu.memref_slice %arg8[%add3A_115, %dma_start3A_116] : memref<48x128xi32, #tpu.memory_space<vmem>> -> memref<1x128xi32, #tpu.memory_space<vmem>>
      %dma_start3A_118 = tpu.memref_squeeze %dma_start3A_117 : memref<1x128xi32, #tpu.memory_space<vmem>> -> memref<128xi32, #tpu.memory_space<vmem>>
      %dma_start3A_119 = arith.constant 0 : i32
      %dma_start3A_120 = arith.constant 0 : i32
      %dma_start3A_121 = tpu.memref_slice %arg3[%dma_start3A_119, %dma_start3A_120] : memref<196608x128xf32, #tpu.memory_space<hbm>> -> memref<196608x128xf32, #tpu.memory_space<hbm>>
      tpu.enqueue_indirect_dma source(%dma_start3A_121 : memref<196608x128xf32, #tpu.memory_space<hbm>>) target(%arg9 : memref<128x128xf32, #tpu.memory_space<vmem>>) offsets(%dma_start3A_118 : memref<128xi32, #tpu.memory_space<vmem>>) semaphore(%arg11 : memref<!tpu.dma_semaphore, #tpu.memory_space<semaphore_mem>>)
      %add3A_122 = arith.constant 1 : i32
      %add3A_123 = arith.addi %mul3A_94, %add3A_122 : i32
      %dma_wait3A_124 = arith.constant 0 : i32
      %dma_wait3A_125 = tpu.memref_slice %arg8[%add3A_123, %dma_wait3A_124] : memref<48x128xi32, #tpu.memory_space<vmem>> -> memref<1x128xi32, #tpu.memory_space<vmem>>
      %dma_wait3A_126 = tpu.memref_squeeze %dma_wait3A_125 : memref<1x128xi32, #tpu.memory_space<vmem>> -> memref<128xi32, #tpu.memory_space<vmem>>
      %dma_wait3A_127 = arith.constant 0 : i32
      %dma_wait3A_128 = arith.constant 0 : i32
      %dma_wait3A_129 = tpu.memref_slice %arg3[%dma_wait3A_127, %dma_wait3A_128] : memref<196608x128xf32, #tpu.memory_space<hbm>> -> memref<196608x128xf32, #tpu.memory_space<hbm>>
      tpu.wait_indirect_dma semaphore(%arg12 : memref<!tpu.dma_semaphore, #tpu.memory_space<semaphore_mem>>) src(%dma_wait3A_129 : memref<196608x128xf32, #tpu.memory_space<hbm>>) dst(%arg10 : memref<128x128xf32, #tpu.memory_space<vmem>>)
      %add3A_130 = arith.constant 1 : i32
      %add3A_131 = arith.addi %mul3A_94, %add3A_130 : i32
      %mul3A_132 = arith.constant 48 : i32
      %mul3A_133 = arith.muli %add3A, %mul3A_132 : i32
      %add3A_134 = arith.addi %mul3A_133, %add3A_131 : i32
      %mul3A_135 = arith.constant 128 : i32
      %mul3A_136 = arith.muli %add3A_134, %mul3A_135 : i32
      "tpu.region"() ({
        %run_scoped3A = tpu.sem_alloc : memref<!tpu.dma_semaphore, #tpu.memory_space<semaphore_mem>>
        %dma_start3A_137 = arith.constant 0 : i32
        %dma_start3A_138 = tpu.memref_slice %arg7[%mul3A_136, %dma_start3A_137] : memref<196608x128xf32, #tpu.memory_space<hbm>> -> memref<128x128xf32, #tpu.memory_space<hbm>>
        %dma_start3A_139 = arith.constant 0 : i32
        %dma_start3A_140 = tpu.memref_slice %arg7[%mul3A_136, %dma_start3A_139] : memref<196608x128xf32, #tpu.memory_space<hbm>> -> memref<128x128xf32, #tpu.memory_space<hbm>>
        tpu.enqueue_dma source(%arg10 : memref<128x128xf32, #tpu.memory_space<vmem>>) target(%dma_start3A_140 : memref<128x128xf32, #tpu.memory_space<hbm>>) target_semaphore(%run_scoped3A : memref<!tpu.dma_semaphore, #tpu.memory_space<semaphore_mem>>)
        %dma_wait3A_141 = arith.constant 0 : i32
        %dma_wait3A_142 = tpu.memref_slice %arg7[%mul3A_136, %dma_wait3A_141] : memref<196608x128xf32, #tpu.memory_space<hbm>> -> memref<128x128xf32, #tpu.memory_space<hbm>>
        %dma_wait3A_143 = arith.constant 0 : i32
        %dma_wait3A_144 = tpu.memref_slice %arg7[%mul3A_136, %dma_wait3A_143] : memref<196608x128xf32, #tpu.memory_space<hbm>> -> memref<128x128xf32, #tpu.memory_space<hbm>>
        tpu.wait_dma2 semaphore(%run_scoped3A : memref<!tpu.dma_semaphore, #tpu.memory_space<semaphore_mem>>) src(%arg10 : memref<128x128xf32, #tpu.memory_space<vmem>>) dst(%dma_wait3A_144 : memref<128x128xf32, #tpu.memory_space<hbm>>)
        tpu.yield
      }) : () -> ()
    }
    %scan3A_58 = arith.constant 23 : i32
    %dma_start3A_59 = arith.constant 47 : i32
    %dma_start3A_60 = arith.constant 0 : i32
    %dma_start3A_61 = tpu.memref_slice %arg8[%dma_start3A_59, %dma_start3A_60] : memref<48x128xi32, #tpu.memory_space<vmem>> -> memref<1x128xi32, #tpu.memory_space<vmem>>
    %dma_start3A_62 = tpu.memref_squeeze %dma_start3A_61 : memref<1x128xi32, #tpu.memory_space<vmem>> -> memref<128xi32, #tpu.memory_space<vmem>>
    %dma_start3A_63 = arith.constant 0 : i32
    %dma_start3A_64 = arith.constant 0 : i32
    %dma_start3A_65 = tpu.memref_slice %arg3[%dma_start3A_63, %dma_start3A_64] : memref<196608x128xf32, #tpu.memory_space<hbm>> -> memref<196608x128xf32, #tpu.memory_space<hbm>>
    tpu.enqueue_indirect_dma source(%dma_start3A_65 : memref<196608x128xf32, #tpu.memory_space<hbm>>) target(%arg10 : memref<128x128xf32, #tpu.memory_space<vmem>>) offsets(%dma_start3A_62 : memref<128xi32, #tpu.memory_space<vmem>>) semaphore(%arg12 : memref<!tpu.dma_semaphore, #tpu.memory_space<semaphore_mem>>)
    %dma_wait3A_66 = arith.constant 46 : i32
    %dma_wait3A_67 = arith.constant 0 : i32
    %dma_wait3A_68 = tpu.memref_slice %arg8[%dma_wait3A_66, %dma_wait3A_67] : memref<48x128xi32, #tpu.memory_space<vmem>> -> memref<1x128xi32, #tpu.memory_space<vmem>>
    %dma_wait3A_69 = tpu.memref_squeeze %dma_wait3A_68 : memref<1x128xi32, #tpu.memory_space<vmem>> -> memref<128xi32, #tpu.memory_space<vmem>>
    %dma_wait3A_70 = arith.constant 0 : i32
    %dma_wait3A_71 = arith.constant 0 : i32
    %dma_wait3A_72 = tpu.memref_slice %arg3[%dma_wait3A_70, %dma_wait3A_71] : memref<196608x128xf32, #tpu.memory_space<hbm>> -> memref<196608x128xf32, #tpu.memory_space<hbm>>
    tpu.wait_indirect_dma semaphore(%arg11 : memref<!tpu.dma_semaphore, #tpu.memory_space<semaphore_mem>>) src(%dma_wait3A_72 : memref<196608x128xf32, #tpu.memory_space<hbm>>) dst(%arg9 : memref<128x128xf32, #tpu.memory_space<vmem>>)
    %mul3A_73 = arith.constant 48 : i32
    %mul3A_74 = arith.muli %add3A, %mul3A_73 : i32
    %add3A_75 = arith.constant 46 : i32
    %add3A_76 = arith.addi %mul3A_74, %add3A_75 : i32
    %mul3A_77 = arith.constant 128 : i32
    %mul3A_78 = arith.muli %add3A_76, %mul3A_77 : i32
    "tpu.region"() ({
      %run_scoped3A = tpu.sem_alloc : memref<!tpu.dma_semaphore, #tpu.memory_space<semaphore_mem>>
      %dma_start3A_92 = arith.constant 0 : i32
      %dma_start3A_93 = tpu.memref_slice %arg7[%mul3A_78, %dma_start3A_92] : memref<196608x128xf32, #tpu.memory_space<hbm>> -> memref<128x128xf32, #tpu.memory_space<hbm>>
      %dma_start3A_94 = arith.constant 0 : i32
      %dma_start3A_95 = tpu.memref_slice %arg7[%mul3A_78, %dma_start3A_94] : memref<196608x128xf32, #tpu.memory_space<hbm>> -> memref<128x128xf32, #tpu.memory_space<hbm>>
      tpu.enqueue_dma source(%arg9 : memref<128x128xf32, #tpu.memory_space<vmem>>) target(%dma_start3A_95 : memref<128x128xf32, #tpu.memory_space<hbm>>) target_semaphore(%run_scoped3A : memref<!tpu.dma_semaphore, #tpu.memory_space<semaphore_mem>>)
      %dma_wait3A_96 = arith.constant 0 : i32
      %dma_wait3A_97 = tpu.memref_slice %arg7[%mul3A_78, %dma_wait3A_96] : memref<196608x128xf32, #tpu.memory_space<hbm>> -> memref<128x128xf32, #tpu.memory_space<hbm>>
      %dma_wait3A_98 = arith.constant 0 : i32
      %dma_wait3A_99 = tpu.memref_slice %arg7[%mul3A_78, %dma_wait3A_98] : memref<196608x128xf32, #tpu.memory_space<hbm>> -> memref<128x128xf32, #tpu.memory_space<hbm>>
      tpu.wait_dma2 semaphore(%run_scoped3A : memref<!tpu.dma_semaphore, #tpu.memory_space<semaphore_mem>>) src(%arg9 : memref<128x128xf32, #tpu.memory_space<vmem>>) dst(%dma_wait3A_99 : memref<128x128xf32, #tpu.memory_space<hbm>>)
      tpu.yield
    }) : () -> ()
    %dma_wait3A_79 = arith.constant 47 : i32
    %dma_wait3A_80 = arith.constant 0 : i32
    %dma_wait3A_81 = tpu.memref_slice %arg8[%dma_wait3A_79, %dma_wait3A_80] : memref<48x128xi32, #tpu.memory_space<vmem>> -> memref<1x128xi32, #tpu.memory_space<vmem>>
    %dma_wait3A_82 = tpu.memref_squeeze %dma_wait3A_81 : memref<1x128xi32, #tpu.memory_space<vmem>> -> memref<128xi32, #tpu.memory_space<vmem>>
    %dma_wait3A_83 = arith.constant 0 : i32
    %dma_wait3A_84 = arith.constant 0 : i32
    %dma_wait3A_85 = tpu.memref_slice %arg3[%dma_wait3A_83, %dma_wait3A_84] : memref<196608x128xf32, #tpu.memory_space<hbm>> -> memref<196608x128xf32, #tpu.memory_space<hbm>>
    tpu.wait_indirect_dma semaphore(%arg12 : memref<!tpu.dma_semaphore, #tpu.memory_space<semaphore_mem>>) src(%dma_wait3A_85 : memref<196608x128xf32, #tpu.memory_space<hbm>>) dst(%arg10 : memref<128x128xf32, #tpu.memory_space<vmem>>)
    %mul3A_86 = arith.constant 48 : i32
    %mul3A_87 = arith.muli %add3A, %mul3A_86 : i32
    %add3A_88 = arith.constant 47 : i32
    %add3A_89 = arith.addi %mul3A_87, %add3A_88 : i32
    %mul3A_90 = arith.constant 128 : i32
    %mul3A_91 = arith.muli %add3A_89, %mul3A_90 : i32
    "tpu.region"() ({
      %run_scoped3A = tpu.sem_alloc : memref<!tpu.dma_semaphore, #tpu.memory_space<semaphore_mem>>
      %dma_start3A_92 = arith.constant 0 : i32
      %dma_start3A_93 = tpu.memref_slice %arg7[%mul3A_91, %dma_start3A_92] : memref<196608x128xf32, #tpu.memory_space<hbm>> -> memref<128x128xf32, #tpu.memory_space<hbm>>
      %dma_start3A_94 = arith.constant 0 : i32
      %dma_start3A_95 = tpu.memref_slice %arg7[%mul3A_91, %dma_start3A_94] : memref<196608x128xf32, #tpu.memory_space<hbm>> -> memref<128x128xf32, #tpu.memory_space<hbm>>
      tpu.enqueue_dma source(%arg10 : memref<128x128xf32, #tpu.memory_space<vmem>>) target(%dma_start3A_95 : memref<128x128xf32, #tpu.memory_space<hbm>>) target_semaphore(%run_scoped3A : memref<!tpu.dma_semaphore, #tpu.memory_space<semaphore_mem>>)
      %dma_wait3A_96 = arith.constant 0 : i32
      %dma_wait3A_97 = tpu.memref_slice %arg7[%mul3A_91, %dma_wait3A_96] : memref<196608x128xf32, #tpu.memory_space<hbm>> -> memref<128x128xf32, #tpu.memory_space<hbm>>
      %dma_wait3A_98 = arith.constant 0 : i32
      %dma_wait3A_99 = tpu.memref_slice %arg7[%mul3A_91, %dma_wait3A_98] : memref<196608x128xf32, #tpu.memory_space<hbm>> -> memref<128x128xf32, #tpu.memory_space<hbm>>
      tpu.wait_dma2 semaphore(%run_scoped3A : memref<!tpu.dma_semaphore, #tpu.memory_space<semaphore_mem>>) src(%arg10 : memref<128x128xf32, #tpu.memory_space<vmem>>) dst(%dma_wait3A_99 : memref<128x128xf32, #tpu.memory_space<hbm>>)
      tpu.yield
    }) : () -> ()
    return
  }
}

#map = affine_map<(d0, d1) -> (0, 0)>
module attributes {stable_mosaic.version = 14 : i64} {
  func.func @_sc_scatter(%arg0: i32, %arg1: i32, %arg2: memref<196608x128xf32, #tpu.memory_space<hbm>>, %arg3: memref<1536x128xi32, #tpu.memory_space<hbm>>, %arg4: memref<196608x128xf32, #tpu.memory_space<hbm>>, %arg5: memref<48x128xi32, #tpu.memory_space<vmem>>, %arg6: memref<128x128xf32, #tpu.memory_space<vmem>>, %arg7: memref<128x128xf32, #tpu.memory_space<vmem>>, %arg8: memref<!tpu.dma_semaphore, #tpu.memory_space<semaphore_mem>>, %arg9: memref<!tpu.dma_semaphore, #tpu.memory_space<semaphore_mem>>) attributes {dimension_semantics = [#tpu.dimension_semantics<core_parallel>, #tpu.dimension_semantics<subcore_parallel>], iteration_bounds = array<i64: 2, 16>, scalar_prefetch = 0 : i64, scratch_operands = 5 : i64, tpu.core_type = #tpu.core_type<sc_vector_subcore>, window_params = [{transform_indices = #map}, {transform_indices = #map}, {transform_indices = #map}]} {
    %mul3A = arith.constant 2 : i32
    %mul3A_0 = arith.muli %arg1, %mul3A : i32
    %add3A = arith.addi %mul3A_0, %arg0 : i32
    %mul3A_1 = arith.constant 48 : i32
    %mul3A_2 = arith.muli %add3A, %mul3A_1 : i32
    "tpu.region"() ({
      %run_scoped3A = tpu.sem_alloc : memref<!tpu.dma_semaphore, #tpu.memory_space<semaphore_mem>>
      %dma_start3A_45 = arith.constant 0 : i32
      %dma_start3A_46 = tpu.memref_slice %arg3[%mul3A_2, %dma_start3A_45] : memref<1536x128xi32, #tpu.memory_space<hbm>> -> memref<48x128xi32, #tpu.memory_space<hbm>>
      %dma_start3A_47 = arith.constant 0 : i32
      %dma_start3A_48 = tpu.memref_slice %arg3[%mul3A_2, %dma_start3A_47] : memref<1536x128xi32, #tpu.memory_space<hbm>> -> memref<48x128xi32, #tpu.memory_space<hbm>>
      tpu.enqueue_dma source(%dma_start3A_48 : memref<48x128xi32, #tpu.memory_space<hbm>>) target(%arg5 : memref<48x128xi32, #tpu.memory_space<vmem>>) target_semaphore(%run_scoped3A : memref<!tpu.dma_semaphore, #tpu.memory_space<semaphore_mem>>)
      %dma_wait3A_49 = arith.constant 0 : i32
      %dma_wait3A_50 = tpu.memref_slice %arg3[%mul3A_2, %dma_wait3A_49] : memref<1536x128xi32, #tpu.memory_space<hbm>> -> memref<48x128xi32, #tpu.memory_space<hbm>>
      %dma_wait3A_51 = arith.constant 0 : i32
      %dma_wait3A_52 = tpu.memref_slice %arg3[%mul3A_2, %dma_wait3A_51] : memref<1536x128xi32, #tpu.memory_space<hbm>> -> memref<48x128xi32, #tpu.memory_space<hbm>>
      tpu.wait_dma2 semaphore(%run_scoped3A : memref<!tpu.dma_semaphore, #tpu.memory_space<semaphore_mem>>) src(%dma_wait3A_52 : memref<48x128xi32, #tpu.memory_space<hbm>>) dst(%arg5 : memref<48x128xi32, #tpu.memory_space<vmem>>)
      tpu.yield
    }) : () -> ()
    %mul3A_3 = arith.constant 48 : i32
    %mul3A_4 = arith.muli %add3A, %mul3A_3 : i32
    %add3A_5 = arith.constant 0 : i32
    %add3A_6 = arith.addi %mul3A_4, %add3A_5 : i32
    %mul3A_7 = arith.constant 128 : i32
    %mul3A_8 = arith.muli %add3A_6, %mul3A_7 : i32
    "tpu.region"() ({
      %run_scoped3A = tpu.sem_alloc : memref<!tpu.dma_semaphore, #tpu.memory_space<semaphore_mem>>
      %dma_start3A_45 = arith.constant 0 : i32
      %dma_start3A_46 = tpu.memref_slice %arg2[%mul3A_8, %dma_start3A_45] : memref<196608x128xf32, #tpu.memory_space<hbm>> -> memref<128x128xf32, #tpu.memory_space<hbm>>
      %dma_start3A_47 = arith.constant 0 : i32
      %dma_start3A_48 = tpu.memref_slice %arg2[%mul3A_8, %dma_start3A_47] : memref<196608x128xf32, #tpu.memory_space<hbm>> -> memref<128x128xf32, #tpu.memory_space<hbm>>
      tpu.enqueue_dma source(%dma_start3A_48 : memref<128x128xf32, #tpu.memory_space<hbm>>) target(%arg6 : memref<128x128xf32, #tpu.memory_space<vmem>>) target_semaphore(%run_scoped3A : memref<!tpu.dma_semaphore, #tpu.memory_space<semaphore_mem>>)
      %dma_wait3A_49 = arith.constant 0 : i32
      %dma_wait3A_50 = tpu.memref_slice %arg2[%mul3A_8, %dma_wait3A_49] : memref<196608x128xf32, #tpu.memory_space<hbm>> -> memref<128x128xf32, #tpu.memory_space<hbm>>
      %dma_wait3A_51 = arith.constant 0 : i32
      %dma_wait3A_52 = tpu.memref_slice %arg2[%mul3A_8, %dma_wait3A_51] : memref<196608x128xf32, #tpu.memory_space<hbm>> -> memref<128x128xf32, #tpu.memory_space<hbm>>
      tpu.wait_dma2 semaphore(%run_scoped3A : memref<!tpu.dma_semaphore, #tpu.memory_space<semaphore_mem>>) src(%dma_wait3A_52 : memref<128x128xf32, #tpu.memory_space<hbm>>) dst(%arg6 : memref<128x128xf32, #tpu.memory_space<vmem>>)
      tpu.yield
    }) : () -> ()
    %dma_start3A = arith.constant 0 : i32
    %dma_start3A_9 = arith.constant 0 : i32
    %dma_start3A_10 = tpu.memref_slice %arg5[%dma_start3A, %dma_start3A_9] : memref<48x128xi32, #tpu.memory_space<vmem>> -> memref<1x128xi32, #tpu.memory_space<vmem>>
    %dma_start3A_11 = tpu.memref_squeeze %dma_start3A_10 : memref<1x128xi32, #tpu.memory_space<vmem>> -> memref<128xi32, #tpu.memory_space<vmem>>
    %dma_start3A_12 = arith.constant 0 : i32
    %dma_start3A_13 = arith.constant 0 : i32
    %dma_start3A_14 = tpu.memref_slice %arg4[%dma_start3A_12, %dma_start3A_13] : memref<196608x128xf32, #tpu.memory_space<hbm>> -> memref<196608x128xf32, #tpu.memory_space<hbm>>
    tpu.enqueue_indirect_dma source(%arg6 : memref<128x128xf32, #tpu.memory_space<vmem>>) target(%dma_start3A_14 : memref<196608x128xf32, #tpu.memory_space<hbm>>) offsets(%dma_start3A_11 : memref<128xi32, #tpu.memory_space<vmem>>) semaphore(%arg8 : memref<!tpu.dma_semaphore, #tpu.memory_space<semaphore_mem>>)
    %scan3A = arith.constant 0 : i32
    %scan3A_15 = arith.constant 23 : i32
    %scan3A_16 = arith.addi %scan3A, %scan3A_15 : i32
    %scan3A_17 = arith.constant 1 : i32
    scf.for %scan3A_45 = %scan3A to %scan3A_16 step %scan3A_17  : i32 {
      %mul3A_46 = arith.constant 2 : i32
      %mul3A_47 = arith.muli %mul3A_46, %scan3A_45 : i32
      %add3A_48 = arith.constant 1 : i32
      %add3A_49 = arith.addi %mul3A_47, %add3A_48 : i32
      %mul3A_50 = arith.constant 48 : i32
      %mul3A_51 = arith.muli %add3A, %mul3A_50 : i32
      %add3A_52 = arith.addi %mul3A_51, %add3A_49 : i32
      %mul3A_53 = arith.constant 128 : i32
      %mul3A_54 = arith.muli %add3A_52, %mul3A_53 : i32
      "tpu.region"() ({
        %run_scoped3A = tpu.sem_alloc : memref<!tpu.dma_semaphore, #tpu.memory_space<semaphore_mem>>
        %dma_start3A_92 = arith.constant 0 : i32
        %dma_start3A_93 = tpu.memref_slice %arg2[%mul3A_54, %dma_start3A_92] : memref<196608x128xf32, #tpu.memory_space<hbm>> -> memref<128x128xf32, #tpu.memory_space<hbm>>
        %dma_start3A_94 = arith.constant 0 : i32
        %dma_start3A_95 = tpu.memref_slice %arg2[%mul3A_54, %dma_start3A_94] : memref<196608x128xf32, #tpu.memory_space<hbm>> -> memref<128x128xf32, #tpu.memory_space<hbm>>
        tpu.enqueue_dma source(%dma_start3A_95 : memref<128x128xf32, #tpu.memory_space<hbm>>) target(%arg7 : memref<128x128xf32, #tpu.memory_space<vmem>>) target_semaphore(%run_scoped3A : memref<!tpu.dma_semaphore, #tpu.memory_space<semaphore_mem>>)
        %dma_wait3A_96 = arith.constant 0 : i32
        %dma_wait3A_97 = tpu.memref_slice %arg2[%mul3A_54, %dma_wait3A_96] : memref<196608x128xf32, #tpu.memory_space<hbm>> -> memref<128x128xf32, #tpu.memory_space<hbm>>
        %dma_wait3A_98 = arith.constant 0 : i32
        %dma_wait3A_99 = tpu.memref_slice %arg2[%mul3A_54, %dma_wait3A_98] : memref<196608x128xf32, #tpu.memory_space<hbm>> -> memref<128x128xf32, #tpu.memory_space<hbm>>
        tpu.wait_dma2 semaphore(%run_scoped3A : memref<!tpu.dma_semaphore, #tpu.memory_space<semaphore_mem>>) src(%dma_wait3A_99 : memref<128x128xf32, #tpu.memory_space<hbm>>) dst(%arg7 : memref<128x128xf32, #tpu.memory_space<vmem>>)
        tpu.yield
      }) : () -> ()
      %add3A_55 = arith.constant 1 : i32
      %add3A_56 = arith.addi %mul3A_47, %add3A_55 : i32
      %dma_start3A_57 = arith.constant 0 : i32
      %dma_start3A_58 = tpu.memref_slice %arg5[%add3A_56, %dma_start3A_57] : memref<48x128xi32, #tpu.memory_space<vmem>> -> memref<1x128xi32, #tpu.memory_space<vmem>>
      %dma_start3A_59 = tpu.memref_squeeze %dma_start3A_58 : memref<1x128xi32, #tpu.memory_space<vmem>> -> memref<128xi32, #tpu.memory_space<vmem>>
      %dma_start3A_60 = arith.constant 0 : i32
      %dma_start3A_61 = arith.constant 0 : i32
      %dma_start3A_62 = tpu.memref_slice %arg4[%dma_start3A_60, %dma_start3A_61] : memref<196608x128xf32, #tpu.memory_space<hbm>> -> memref<196608x128xf32, #tpu.memory_space<hbm>>
      tpu.enqueue_indirect_dma source(%arg7 : memref<128x128xf32, #tpu.memory_space<vmem>>) target(%dma_start3A_62 : memref<196608x128xf32, #tpu.memory_space<hbm>>) offsets(%dma_start3A_59 : memref<128xi32, #tpu.memory_space<vmem>>) semaphore(%arg9 : memref<!tpu.dma_semaphore, #tpu.memory_space<semaphore_mem>>)
      %dma_wait3A_63 = arith.constant 0 : i32
      %dma_wait3A_64 = tpu.memref_slice %arg5[%mul3A_47, %dma_wait3A_63] : memref<48x128xi32, #tpu.memory_space<vmem>> -> memref<1x128xi32, #tpu.memory_space<vmem>>
      %dma_wait3A_65 = tpu.memref_squeeze %dma_wait3A_64 : memref<1x128xi32, #tpu.memory_space<vmem>> -> memref<128xi32, #tpu.memory_space<vmem>>
      %dma_wait3A_66 = arith.constant 0 : i32
      %dma_wait3A_67 = arith.constant 0 : i32
      %dma_wait3A_68 = tpu.memref_slice %arg4[%dma_wait3A_66, %dma_wait3A_67] : memref<196608x128xf32, #tpu.memory_space<hbm>> -> memref<196608x128xf32, #tpu.memory_space<hbm>>
      tpu.wait_indirect_dma semaphore(%arg8 : memref<!tpu.dma_semaphore, #tpu.memory_space<semaphore_mem>>) src(%arg6 : memref<128x128xf32, #tpu.memory_space<vmem>>) dst(%dma_wait3A_68 : memref<196608x128xf32, #tpu.memory_space<hbm>>)
      %add3A_69 = arith.constant 2 : i32
      %add3A_70 = arith.addi %mul3A_47, %add3A_69 : i32
      %mul3A_71 = arith.constant 48 : i32
      %mul3A_72 = arith.muli %add3A, %mul3A_71 : i32
      %add3A_73 = arith.addi %mul3A_72, %add3A_70 : i32
      %mul3A_74 = arith.constant 128 : i32
      %mul3A_75 = arith.muli %add3A_73, %mul3A_74 : i32
      "tpu.region"() ({
        %run_scoped3A = tpu.sem_alloc : memref<!tpu.dma_semaphore, #tpu.memory_space<semaphore_mem>>
        %dma_start3A_92 = arith.constant 0 : i32
        %dma_start3A_93 = tpu.memref_slice %arg2[%mul3A_75, %dma_start3A_92] : memref<196608x128xf32, #tpu.memory_space<hbm>> -> memref<128x128xf32, #tpu.memory_space<hbm>>
        %dma_start3A_94 = arith.constant 0 : i32
        %dma_start3A_95 = tpu.memref_slice %arg2[%mul3A_75, %dma_start3A_94] : memref<196608x128xf32, #tpu.memory_space<hbm>> -> memref<128x128xf32, #tpu.memory_space<hbm>>
        tpu.enqueue_dma source(%dma_start3A_95 : memref<128x128xf32, #tpu.memory_space<hbm>>) target(%arg6 : memref<128x128xf32, #tpu.memory_space<vmem>>) target_semaphore(%run_scoped3A : memref<!tpu.dma_semaphore, #tpu.memory_space<semaphore_mem>>)
        %dma_wait3A_96 = arith.constant 0 : i32
        %dma_wait3A_97 = tpu.memref_slice %arg2[%mul3A_75, %dma_wait3A_96] : memref<196608x128xf32, #tpu.memory_space<hbm>> -> memref<128x128xf32, #tpu.memory_space<hbm>>
        %dma_wait3A_98 = arith.constant 0 : i32
        %dma_wait3A_99 = tpu.memref_slice %arg2[%mul3A_75, %dma_wait3A_98] : memref<196608x128xf32, #tpu.memory_space<hbm>> -> memref<128x128xf32, #tpu.memory_space<hbm>>
        tpu.wait_dma2 semaphore(%run_scoped3A : memref<!tpu.dma_semaphore, #tpu.memory_space<semaphore_mem>>) src(%dma_wait3A_99 : memref<128x128xf32, #tpu.memory_space<hbm>>) dst(%arg6 : memref<128x128xf32, #tpu.memory_space<vmem>>)
        tpu.yield
      }) : () -> ()
      %add3A_76 = arith.constant 2 : i32
      %add3A_77 = arith.addi %mul3A_47, %add3A_76 : i32
      %dma_start3A_78 = arith.constant 0 : i32
      %dma_start3A_79 = tpu.memref_slice %arg5[%add3A_77, %dma_start3A_78] : memref<48x128xi32, #tpu.memory_space<vmem>> -> memref<1x128xi32, #tpu.memory_space<vmem>>
      %dma_start3A_80 = tpu.memref_squeeze %dma_start3A_79 : memref<1x128xi32, #tpu.memory_space<vmem>> -> memref<128xi32, #tpu.memory_space<vmem>>
      %dma_start3A_81 = arith.constant 0 : i32
      %dma_start3A_82 = arith.constant 0 : i32
      %dma_start3A_83 = tpu.memref_slice %arg4[%dma_start3A_81, %dma_start3A_82] : memref<196608x128xf32, #tpu.memory_space<hbm>> -> memref<196608x128xf32, #tpu.memory_space<hbm>>
      tpu.enqueue_indirect_dma source(%arg6 : memref<128x128xf32, #tpu.memory_space<vmem>>) target(%dma_start3A_83 : memref<196608x128xf32, #tpu.memory_space<hbm>>) offsets(%dma_start3A_80 : memref<128xi32, #tpu.memory_space<vmem>>) semaphore(%arg8 : memref<!tpu.dma_semaphore, #tpu.memory_space<semaphore_mem>>)
      %add3A_84 = arith.constant 1 : i32
      %add3A_85 = arith.addi %mul3A_47, %add3A_84 : i32
      %dma_wait3A_86 = arith.constant 0 : i32
      %dma_wait3A_87 = tpu.memref_slice %arg5[%add3A_85, %dma_wait3A_86] : memref<48x128xi32, #tpu.memory_space<vmem>> -> memref<1x128xi32, #tpu.memory_space<vmem>>
      %dma_wait3A_88 = tpu.memref_squeeze %dma_wait3A_87 : memref<1x128xi32, #tpu.memory_space<vmem>> -> memref<128xi32, #tpu.memory_space<vmem>>
      %dma_wait3A_89 = arith.constant 0 : i32
      %dma_wait3A_90 = arith.constant 0 : i32
      %dma_wait3A_91 = tpu.memref_slice %arg4[%dma_wait3A_89, %dma_wait3A_90] : memref<196608x128xf32, #tpu.memory_space<hbm>> -> memref<196608x128xf32, #tpu.memory_space<hbm>>
      tpu.wait_indirect_dma semaphore(%arg9 : memref<!tpu.dma_semaphore, #tpu.memory_space<semaphore_mem>>) src(%arg7 : memref<128x128xf32, #tpu.memory_space<vmem>>) dst(%dma_wait3A_91 : memref<196608x128xf32, #tpu.memory_space<hbm>>)
    }
    %scan3A_18 = arith.constant 23 : i32
    %mul3A_19 = arith.constant 48 : i32
    %mul3A_20 = arith.muli %add3A, %mul3A_19 : i32
    %add3A_21 = arith.constant 47 : i32
    %add3A_22 = arith.addi %mul3A_20, %add3A_21 : i32
    %mul3A_23 = arith.constant 128 : i32
    %mul3A_24 = arith.muli %add3A_22, %mul3A_23 : i32
    "tpu.region"() ({
      %run_scoped3A = tpu.sem_alloc : memref<!tpu.dma_semaphore, #tpu.memory_space<semaphore_mem>>
      %dma_start3A_45 = arith.constant 0 : i32
      %dma_start3A_46 = tpu.memref_slice %arg2[%mul3A_24, %dma_start3A_45] : memref<196608x128xf32, #tpu.memory_space<hbm>> -> memref<128x128xf32, #tpu.memory_space<hbm>>
      %dma_start3A_47 = arith.constant 0 : i32
      %dma_start3A_48 = tpu.memref_slice %arg2[%mul3A_24, %dma_start3A_47] : memref<196608x128xf32, #tpu.memory_space<hbm>> -> memref<128x128xf32, #tpu.memory_space<hbm>>
      tpu.enqueue_dma source(%dma_start3A_48 : memref<128x128xf32, #tpu.memory_space<hbm>>) target(%arg7 : memref<128x128xf32, #tpu.memory_space<vmem>>) target_semaphore(%run_scoped3A : memref<!tpu.dma_semaphore, #tpu.memory_space<semaphore_mem>>)
      %dma_wait3A_49 = arith.constant 0 : i32
      %dma_wait3A_50 = tpu.memref_slice %arg2[%mul3A_24, %dma_wait3A_49] : memref<196608x128xf32, #tpu.memory_space<hbm>> -> memref<128x128xf32, #tpu.memory_space<hbm>>
      %dma_wait3A_51 = arith.constant 0 : i32
      %dma_wait3A_52 = tpu.memref_slice %arg2[%mul3A_24, %dma_wait3A_51] : memref<196608x128xf32, #tpu.memory_space<hbm>> -> memref<128x128xf32, #tpu.memory_space<hbm>>
      tpu.wait_dma2 semaphore(%run_scoped3A : memref<!tpu.dma_semaphore, #tpu.memory_space<semaphore_mem>>) src(%dma_wait3A_52 : memref<128x128xf32, #tpu.memory_space<hbm>>) dst(%arg7 : memref<128x128xf32, #tpu.memory_space<vmem>>)
      tpu.yield
    }) : () -> ()
    %dma_start3A_25 = arith.constant 47 : i32
    %dma_start3A_26 = arith.constant 0 : i32
    %dma_start3A_27 = tpu.memref_slice %arg5[%dma_start3A_25, %dma_start3A_26] : memref<48x128xi32, #tpu.memory_space<vmem>> -> memref<1x128xi32, #tpu.memory_space<vmem>>
    %dma_start3A_28 = tpu.memref_squeeze %dma_start3A_27 : memref<1x128xi32, #tpu.memory_space<vmem>> -> memref<128xi32, #tpu.memory_space<vmem>>
    %dma_start3A_29 = arith.constant 0 : i32
    %dma_start3A_30 = arith.constant 0 : i32
    %dma_start3A_31 = tpu.memref_slice %arg4[%dma_start3A_29, %dma_start3A_30] : memref<196608x128xf32, #tpu.memory_space<hbm>> -> memref<196608x128xf32, #tpu.memory_space<hbm>>
    tpu.enqueue_indirect_dma source(%arg7 : memref<128x128xf32, #tpu.memory_space<vmem>>) target(%dma_start3A_31 : memref<196608x128xf32, #tpu.memory_space<hbm>>) offsets(%dma_start3A_28 : memref<128xi32, #tpu.memory_space<vmem>>) semaphore(%arg9 : memref<!tpu.dma_semaphore, #tpu.memory_space<semaphore_mem>>)
    %dma_wait3A = arith.constant 46 : i32
    %dma_wait3A_32 = arith.constant 0 : i32
    %dma_wait3A_33 = tpu.memref_slice %arg5[%dma_wait3A, %dma_wait3A_32] : memref<48x128xi32, #tpu.memory_space<vmem>> -> memref<1x128xi32, #tpu.memory_space<vmem>>
    %dma_wait3A_34 = tpu.memref_squeeze %dma_wait3A_33 : memref<1x128xi32, #tpu.memory_space<vmem>> -> memref<128xi32, #tpu.memory_space<vmem>>
    %dma_wait3A_35 = arith.constant 0 : i32
    %dma_wait3A_36 = arith.constant 0 : i32
    %dma_wait3A_37 = tpu.memref_slice %arg4[%dma_wait3A_35, %dma_wait3A_36] : memref<196608x128xf32, #tpu.memory_space<hbm>> -> memref<196608x128xf32, #tpu.memory_space<hbm>>
    tpu.wait_indirect_dma semaphore(%arg8 : memref<!tpu.dma_semaphore, #tpu.memory_space<semaphore_mem>>) src(%arg6 : memref<128x128xf32, #tpu.memory_space<vmem>>) dst(%dma_wait3A_37 : memref<196608x128xf32, #tpu.memory_space<hbm>>)
    %dma_wait3A_38 = arith.constant 47 : i32
    %dma_wait3A_39 = arith.constant 0 : i32
    %dma_wait3A_40 = tpu.memref_slice %arg5[%dma_wait3A_38, %dma_wait3A_39] : memref<48x128xi32, #tpu.memory_space<vmem>> -> memref<1x128xi32, #tpu.memory_space<vmem>>
    %dma_wait3A_41 = tpu.memref_squeeze %dma_wait3A_40 : memref<1x128xi32, #tpu.memory_space<vmem>> -> memref<128xi32, #tpu.memory_space<vmem>>
    %dma_wait3A_42 = arith.constant 0 : i32
    %dma_wait3A_43 = arith.constant 0 : i32
    %dma_wait3A_44 = tpu.memref_slice %arg4[%dma_wait3A_42, %dma_wait3A_43] : memref<196608x128xf32, #tpu.memory_space<hbm>> -> memref<196608x128xf32, #tpu.memory_space<hbm>>
    tpu.wait_indirect_dma semaphore(%arg9 : memref<!tpu.dma_semaphore, #tpu.memory_space<semaphore_mem>>) src(%arg7 : memref<128x128xf32, #tpu.memory_space<vmem>>) dst(%dma_wait3A_44 : memref<196608x128xf32, #tpu.memory_space<hbm>>)
    return
  }
}

module attributes {stable_mosaic.version = 14 : i64} {
  func.func @_attn_body(%arg0: i32, %arg1: i32, %arg2: memref<1x1024x1xi32, #tpu.memory_space<vmem>>, %arg3: memref<1x1x1024xi32, #tpu.memory_space<vmem>>, %arg4: memref<1x1x1024xi32, #tpu.memory_space<vmem>>, %arg5: memref<1x1024x128xf32, #tpu.memory_space<vmem>>, %arg6: memref<1x1024x128xf32, #tpu.memory_space<vmem>>, %arg7: memref<1x1024x128xf32, #tpu.memory_space<vmem>>, %arg8: memref<1x1024x128xf32, #tpu.memory_space<vmem>>) attributes {dimension_semantics = [#tpu.dimension_semantics<arbitrary>, #tpu.dimension_semantics<arbitrary>], iteration_bounds = array<i64: 24, 8>, scalar_prefetch = 0 : i64, scratch_operands = 0 : i64, tpu.core_type = #tpu.core_type<tc>, window_params = [{transform_indices = @transform_0, window_bounds = array<i64: 1, 1024, 1>}, {transform_indices = @transform_1, window_bounds = array<i64: 1, 1, 1024>}, {transform_indices = @transform_2, window_bounds = array<i64: 1, 1, 1024>}, {transform_indices = @transform_3, window_bounds = array<i64: 1, 1024, 128>}, {transform_indices = @transform_4, window_bounds = array<i64: 1, 1024, 128>}, {transform_indices = @transform_5, window_bounds = array<i64: 1, 1024, 128>}, {transform_indices = @transform_6, window_bounds = array<i64: 1, 1024, 128>}]} {
    %get3A = arith.constant 0 : index
    %get3A_0 = arith.constant 0 : index
    %get3A_1 = arith.constant 0 : index
    %get3A_2 = vector.load %arg6[%get3A, %get3A_0, %get3A_1] : memref<1x1024x128xf32, #tpu.memory_space<vmem>>, vector<1x1024x128xf32>
    %get3A_3 = vector.shape_cast %get3A_2 : vector<1x1024x128xf32> to vector<1024x128xf32>
    %get3A_4 = arith.constant 0 : index
    %get3A_5 = arith.constant 0 : index
    %get3A_6 = arith.constant 0 : index
    %get3A_7 = vector.load %arg7[%get3A_4, %get3A_5, %get3A_6] : memref<1x1024x128xf32, #tpu.memory_space<vmem>>, vector<1x1024x128xf32>
    %get3A_8 = vector.shape_cast %get3A_7 : vector<1x1024x128xf32> to vector<1024x128xf32>
    %concatenate3A = tpu.concatenate %get3A_3, %get3A_8 in 0 : vector<1024x128xf32>, vector<1024x128xf32> -> vector<2048x128xf32>
    %get3A_9 = arith.constant 0 : index
    %get3A_10 = arith.constant 0 : index
    %get3A_11 = arith.constant 0 : index
    %get3A_12 = vector.load %arg3[%get3A_9, %get3A_10, %get3A_11] : memref<1x1x1024xi32, #tpu.memory_space<vmem>>, vector<1x1x1024xi32>
    %get3A_13 = vector.shape_cast %get3A_12 : vector<1x1x1024xi32> to vector<1x1024xi32>
    %get3A_14 = arith.constant 0 : index
    %get3A_15 = arith.constant 0 : index
    %get3A_16 = arith.constant 0 : index
    %get3A_17 = vector.load %arg4[%get3A_14, %get3A_15, %get3A_16] : memref<1x1x1024xi32, #tpu.memory_space<vmem>>, vector<1x1x1024xi32>
    %get3A_18 = vector.shape_cast %get3A_17 : vector<1x1x1024xi32> to vector<1x1024xi32>
    %concatenate3A_19 = tpu.concatenate %get3A_13, %get3A_18 in 1 : vector<1x1024xi32>, vector<1x1024xi32> -> vector<1x2048xi32>
    %get3A_20 = arith.constant 0 : index
    %get3A_21 = arith.constant 0 : index
    %get3A_22 = arith.constant 0 : index
    %get3A_23 = vector.load %arg5[%get3A_20, %get3A_21, %get3A_22] : memref<1x1024x128xf32, #tpu.memory_space<vmem>>, vector<1x128x128xf32>
    %get3A_24 = vector.shape_cast %get3A_23 : vector<1x128x128xf32> to vector<128x128xf32>
    %slice3A = vector.extract_strided_slice %concatenate3A {offsets = [896, 0], sizes = [256, 128], strides = [1, 1]} : vector<2048x128xf32> to vector<256x128xf32>
    %slice3A_25 = vector.extract_strided_slice %concatenate3A_19 {offsets = [0, 896], sizes = [1, 256], strides = [1, 1]} : vector<1x2048xi32> to vector<1x256xi32>
    %get3A_26 = arith.constant 0 : index
    %get3A_27 = arith.constant 0 : index
    %get3A_28 = arith.constant 0 : index
    %get3A_29 = vector.load %arg2[%get3A_26, %get3A_27, %get3A_28] : memref<1x1024x1xi32, #tpu.memory_space<vmem>>, vector<1x128x1xi32>
    %get3A_30 = vector.shape_cast %get3A_29 : vector<1x128x1xi32> to vector<128x1xi32>
    %dot_general3A = arith.constant dense<0.000000e+00> : vector<128x256xf32>
    %dot_general3A_31 = tpu.matmul %get3A_24, %slice3A, %dot_general3A {dimension_numbers = #tpu.dot_dimension_numbers<[1], [1], [0], [0], [0, 0, 1, 0], [], []>, transpose_lhs_hint = false} : vector<128x128xf32>, vector<256x128xf32>, vector<128x256xf32> -> vector<128x256xf32>
    %mul3A = arith.constant 1.250000e-01 : f32
    %mul3A_32 = vector.broadcast %mul3A : f32 to vector<128x256xf32>
    %mul3A_33 = arith.mulf %dot_general3A_31, %mul3A_32 : vector<128x256xf32>
    %eq3A = vector.broadcast %get3A_30 : vector<128x1xi32> to vector<128x256xi32>
    %eq3A_34 = vector.broadcast %slice3A_25 : vector<1x256xi32> to vector<128x256xi32>
    %eq3A_35 = arith.cmpi eq, %eq3A, %eq3A_34 : vector<128x256xi32>
    %convert_element_type3A = arith.extui %eq3A_35 : vector<128x256xi1> to vector<128x256xi32>
    %convert_element_type3A_36 = arith.sitofp %convert_element_type3A : vector<128x256xi32> to vector<128x256xf32>
    %mul3A_37 = arith.constant 1.000000e+05 : f32
    %mul3A_38 = vector.broadcast %mul3A_37 : f32 to vector<128x256xf32>
    %mul3A_39 = arith.mulf %mul3A_38, %convert_element_type3A_36 : vector<128x256xf32>
    %sub3A = arith.subf %mul3A_33, %mul3A_39 : vector<128x256xf32>
    %reduce_max3A = arith.constant dense<0xFF800000> : vector<128xf32>
    %reduce_max3A_40 = vector.multi_reduction <maximumf>, %sub3A, %reduce_max3A [1] : vector<128x256xf32> to vector<128xf32>
    %broadcast_in_dim3A = vector.shape_cast %reduce_max3A_40 : vector<128xf32> to vector<128x1xf32>
    %sub3A_41 = vector.broadcast %broadcast_in_dim3A : vector<128x1xf32> to vector<128x256xf32>
    %sub3A_42 = arith.subf %sub3A, %sub3A_41 : vector<128x256xf32>
    %exp3A = math.exp %sub3A_42 : vector<128x256xf32>
    %reduce_sum3A = arith.constant dense<0.000000e+00> : vector<128xf32>
    %reduce_sum3A_43 = vector.multi_reduction <add>, %exp3A, %reduce_sum3A [1] : vector<128x256xf32> to vector<128xf32>
    %broadcast_in_dim3A_44 = vector.shape_cast %reduce_sum3A_43 : vector<128xf32> to vector<128x1xf32>
    %slice3A_45 = vector.extract_strided_slice %slice3A {offsets = [0, 64], sizes = [256, 64], strides = [1, 1]} : vector<256x128xf32> to vector<256x64xf32>
    %dot_general3A_46 = arith.constant dense<0.000000e+00> : vector<128x64xf32>
    %dot_general3A_47 = tpu.matmul %exp3A, %slice3A_45, %dot_general3A_46 {dimension_numbers = #tpu.dot_dimension_numbers<[1], [0], [0], [1], [0, 0, 1, 1], [], []>, transpose_lhs_hint = false} : vector<128x256xf32>, vector<256x64xf32>, vector<128x64xf32> -> vector<128x64xf32>
    %div3A = vector.broadcast %broadcast_in_dim3A_44 : vector<128x1xf32> to vector<128x64xf32>
    %div3A_48 = arith.divf %dot_general3A_47, %div3A : vector<128x64xf32>
    %broadcast_in_dim3A_49 = arith.constant 0.000000e+00 : f32
    %broadcast_in_dim3A_50 = vector.broadcast %broadcast_in_dim3A_49 : f32 to vector<128x64xf32>
    %concatenate3A_51 = tpu.concatenate %div3A_48, %broadcast_in_dim3A_50 in 1 : vector<128x64xf32>, vector<128x64xf32> -> vector<128x128xf32>
    %swap3A = arith.constant 0 : index
    %swap3A_52 = arith.constant 0 : index
    %swap3A_53 = arith.constant 0 : index
    %swap3A_54 = vector.load %arg8[%swap3A, %swap3A_52, %swap3A_53] : memref<1x1024x128xf32, #tpu.memory_space<vmem>>, vector<1x128x128xf32>
    %swap3A_55 = vector.shape_cast %swap3A_54 : vector<1x128x128xf32> to vector<128x128xf32>
    %swap3A_56 = vector.shape_cast %concatenate3A_51 : vector<128x128xf32> to vector<1x128x128xf32>
    tpu.vector_store %arg8[%swap3A, %swap3A_52, %swap3A_53], %swap3A_56 {strides = array<i32>} : memref<1x1024x128xf32, #tpu.memory_space<vmem>>, vector<1x128x128xf32>,
    %get3A_57 = arith.constant 0 : index
    %get3A_58 = arith.constant 128 : index
    %get3A_59 = arith.constant 0 : index
    %get3A_60 = vector.load %arg5[%get3A_57, %get3A_58, %get3A_59] : memref<1x1024x128xf32, #tpu.memory_space<vmem>>, vector<1x128x128xf32>
    %get3A_61 = vector.shape_cast %get3A_60 : vector<1x128x128xf32> to vector<128x128xf32>
    %slice3A_62 = vector.extract_strided_slice %concatenate3A {offsets = [1024, 0], sizes = [256, 128], strides = [1, 1]} : vector<2048x128xf32> to vector<256x128xf32>
    %slice3A_63 = vector.extract_strided_slice %concatenate3A_19 {offsets = [0, 1024], sizes = [1, 256], strides = [1, 1]} : vector<1x2048xi32> to vector<1x256xi32>
    %get3A_64 = arith.constant 0 : index
    %get3A_65 = arith.constant 128 : index
    %get3A_66 = arith.constant 0 : index
    %get3A_67 = vector.load %arg2[%get3A_64, %get3A_65, %get3A_66] : memref<1x1024x1xi32, #tpu.memory_space<vmem>>, vector<1x128x1xi32>
    %get3A_68 = vector.shape_cast %get3A_67 : vector<1x128x1xi32> to vector<128x1xi32>
    %dot_general3A_69 = arith.constant dense<0.000000e+00> : vector<128x256xf32>
    %dot_general3A_70 = tpu.matmul %get3A_61, %slice3A_62, %dot_general3A_69 {dimension_numbers = #tpu.dot_dimension_numbers<[1], [1], [0], [0], [0, 0, 1, 0], [], []>, transpose_lhs_hint = false} : vector<128x128xf32>, vector<256x128xf32>, vector<128x256xf32> -> vector<128x256xf32>
    %mul3A_71 = arith.constant 1.250000e-01 : f32
    %mul3A_72 = vector.broadcast %mul3A_71 : f32 to vector<128x256xf32>
    %mul3A_73 = arith.mulf %dot_general3A_70, %mul3A_72 : vector<128x256xf32>
    %eq3A_74 = vector.broadcast %get3A_68 : vector<128x1xi32> to vector<128x256xi32>
    %eq3A_75 = vector.broadcast %slice3A_63 : vector<1x256xi32> to vector<128x256xi32>
    %eq3A_76 = arith.cmpi eq, %eq3A_74, %eq3A_75 : vector<128x256xi32>
    %convert_element_type3A_77 = arith.extui %eq3A_76 : vector<128x256xi1> to vector<128x256xi32>
    %convert_element_type3A_78 = arith.sitofp %convert_element_type3A_77 : vector<128x256xi32> to vector<128x256xf32>
    %mul3A_79 = arith.constant 1.000000e+05 : f32
    %mul3A_80 = vector.broadcast %mul3A_79 : f32 to vector<128x256xf32>
    %mul3A_81 = arith.mulf %mul3A_80, %convert_element_type3A_78 : vector<128x256xf32>
    %sub3A_82 = arith.subf %mul3A_73, %mul3A_81 : vector<128x256xf32>
    %reduce_max3A_83 = arith.constant dense<0xFF800000> : vector<128xf32>
    %reduce_max3A_84 = vector.multi_reduction <maximumf>, %sub3A_82, %reduce_max3A_83 [1] : vector<128x256xf32> to vector<128xf32>
    %broadcast_in_dim3A_85 = vector.shape_cast %reduce_max3A_84 : vector<128xf32> to vector<128x1xf32>
    %sub3A_86 = vector.broadcast %broadcast_in_dim3A_85 : vector<128x1xf32> to vector<128x256xf32>
    %sub3A_87 = arith.subf %sub3A_82, %sub3A_86 : vector<128x256xf32>
    %exp3A_88 = math.exp %sub3A_87 : vector<128x256xf32>
    %reduce_sum3A_89 = arith.constant dense<0.000000e+00> : vector<128xf32>
    %reduce_sum3A_90 = vector.multi_reduction <add>, %exp3A_88, %reduce_sum3A_89 [1] : vector<128x256xf32> to vector<128xf32>
    %broadcast_in_dim3A_91 = vector.shape_cast %reduce_sum3A_90 : vector<128xf32> to vector<128x1xf32>
    %slice3A_92 = vector.extract_strided_slice %slice3A_62 {offsets = [0, 64], sizes = [256, 64], strides = [1, 1]} : vector<256x128xf32> to vector<256x64xf32>
    %dot_general3A_93 = arith.constant dense<0.000000e+00> : vector<128x64xf32>
    %dot_general3A_94 = tpu.matmul %exp3A_88, %slice3A_92, %dot_general3A_93 {dimension_numbers = #tpu.dot_dimension_numbers<[1], [0], [0], [1], [0, 0, 1, 1], [], []>, transpose_lhs_hint = false} : vector<128x256xf32>, vector<256x64xf32>, vector<128x64xf32> -> vector<128x64xf32>
    %div3A_95 = vector.broadcast %broadcast_in_dim3A_91 : vector<128x1xf32> to vector<128x64xf32>
    %div3A_96 = arith.divf %dot_general3A_94, %div3A_95 : vector<128x64xf32>
    %broadcast_in_dim3A_97 = arith.constant 0.000000e+00 : f32
    %broadcast_in_dim3A_98 = vector.broadcast %broadcast_in_dim3A_97 : f32 to vector<128x64xf32>
    %concatenate3A_99 = tpu.concatenate %div3A_96, %broadcast_in_dim3A_98 in 1 : vector<128x64xf32>, vector<128x64xf32> -> vector<128x128xf32>
    %swap3A_100 = arith.constant 0 : index
    %swap3A_101 = arith.constant 128 : index
    %swap3A_102 = arith.constant 0 : index
    %swap3A_103 = vector.load %arg8[%swap3A_100, %swap3A_101, %swap3A_102] : memref<1x1024x128xf32, #tpu.memory_space<vmem>>, vector<1x128x128xf32>
    %swap3A_104 = vector.shape_cast %swap3A_103 : vector<1x128x128xf32> to vector<128x128xf32>
    %swap3A_105 = vector.shape_cast %concatenate3A_99 : vector<128x128xf32> to vector<1x128x128xf32>
    tpu.vector_store %arg8[%swap3A_100, %swap3A_101, %swap3A_102], %swap3A_105 {strides = array<i32>} : memref<1x1024x128xf32, #tpu.memory_space<vmem>>, vector<1x128x128xf32>,
    %get3A_106 = arith.constant 0 : index
    %get3A_107 = arith.constant 256 : index
    %get3A_108 = arith.constant 0 : index
    %get3A_109 = vector.load %arg5[%get3A_106, %get3A_107, %get3A_108] : memref<1x1024x128xf32, #tpu.memory_space<vmem>>, vector<1x128x128xf32>
    %get3A_110 = vector.shape_cast %get3A_109 : vector<1x128x128xf32> to vector<128x128xf32>
    %slice3A_111 = vector.extract_strided_slice %concatenate3A {offsets = [1152, 0], sizes = [256, 128], strides = [1, 1]} : vector<2048x128xf32> to vector<256x128xf32>
    %slice3A_112 = vector.extract_strided_slice %concatenate3A_19 {offsets = [0, 1152], sizes = [1, 256], strides = [1, 1]} : vector<1x2048xi32> to vector<1x256xi32>
    %get3A_113 = arith.constant 0 : index
    %get3A_114 = arith.constant 256 : index
    %get3A_115 = arith.constant 0 : index
    %get3A_116 = vector.load %arg2[%get3A_113, %get3A_114, %get3A_115] : memref<1x1024x1xi32, #tpu.memory_space<vmem>>, vector<1x128x1xi32>
    %get3A_117 = vector.shape_cast %get3A_116 : vector<1x128x1xi32> to vector<128x1xi32>
    %dot_general3A_118 = arith.constant dense<0.000000e+00> : vector<128x256xf32>
    %dot_general3A_119 = tpu.matmul %get3A_110, %slice3A_111, %dot_general3A_118 {dimension_numbers = #tpu.dot_dimension_numbers<[1], [1], [0], [0], [0, 0, 1, 0], [], []>, transpose_lhs_hint = false} : vector<128x128xf32>, vector<256x128xf32>, vector<128x256xf32> -> vector<128x256xf32>
    %mul3A_120 = arith.constant 1.250000e-01 : f32
    %mul3A_121 = vector.broadcast %mul3A_120 : f32 to vector<128x256xf32>
    %mul3A_122 = arith.mulf %dot_general3A_119, %mul3A_121 : vector<128x256xf32>
    %eq3A_123 = vector.broadcast %get3A_117 : vector<128x1xi32> to vector<128x256xi32>
    %eq3A_124 = vector.broadcast %slice3A_112 : vector<1x256xi32> to vector<128x256xi32>
    %eq3A_125 = arith.cmpi eq, %eq3A_123, %eq3A_124 : vector<128x256xi32>
    %convert_element_type3A_126 = arith.extui %eq3A_125 : vector<128x256xi1> to vector<128x256xi32>
    %convert_element_type3A_127 = arith.sitofp %convert_element_type3A_126 : vector<128x256xi32> to vector<128x256xf32>
    %mul3A_128 = arith.constant 1.000000e+05 : f32
    %mul3A_129 = vector.broadcast %mul3A_128 : f32 to vector<128x256xf32>
    %mul3A_130 = arith.mulf %mul3A_129, %convert_element_type3A_127 : vector<128x256xf32>
    %sub3A_131 = arith.subf %mul3A_122, %mul3A_130 : vector<128x256xf32>
    %reduce_max3A_132 = arith.constant dense<0xFF800000> : vector<128xf32>
    %reduce_max3A_133 = vector.multi_reduction <maximumf>, %sub3A_131, %reduce_max3A_132 [1] : vector<128x256xf32> to vector<128xf32>
    %broadcast_in_dim3A_134 = vector.shape_cast %reduce_max3A_133 : vector<128xf32> to vector<128x1xf32>
    %sub3A_135 = vector.broadcast %broadcast_in_dim3A_134 : vector<128x1xf32> to vector<128x256xf32>
    %sub3A_136 = arith.subf %sub3A_131, %sub3A_135 : vector<128x256xf32>
    %exp3A_137 = math.exp %sub3A_136 : vector<128x256xf32>
    %reduce_sum3A_138 = arith.constant dense<0.000000e+00> : vector<128xf32>
    %reduce_sum3A_139 = vector.multi_reduction <add>, %exp3A_137, %reduce_sum3A_138 [1] : vector<128x256xf32> to vector<128xf32>
    %broadcast_in_dim3A_140 = vector.shape_cast %reduce_sum3A_139 : vector<128xf32> to vector<128x1xf32>
    %slice3A_141 = vector.extract_strided_slice %slice3A_111 {offsets = [0, 64], sizes = [256, 64], strides = [1, 1]} : vector<256x128xf32> to vector<256x64xf32>
    %dot_general3A_142 = arith.constant dense<0.000000e+00> : vector<128x64xf32>
    %dot_general3A_143 = tpu.matmul %exp3A_137, %slice3A_141, %dot_general3A_142 {dimension_numbers = #tpu.dot_dimension_numbers<[1], [0], [0], [1], [0, 0, 1, 1], [], []>, transpose_lhs_hint = false} : vector<128x256xf32>, vector<256x64xf32>, vector<128x64xf32> -> vector<128x64xf32>
    %div3A_144 = vector.broadcast %broadcast_in_dim3A_140 : vector<128x1xf32> to vector<128x64xf32>
    %div3A_145 = arith.divf %dot_general3A_143, %div3A_144 : vector<128x64xf32>
    %broadcast_in_dim3A_146 = arith.constant 0.000000e+00 : f32
    %broadcast_in_dim3A_147 = vector.broadcast %broadcast_in_dim3A_146 : f32 to vector<128x64xf32>
    %concatenate3A_148 = tpu.concatenate %div3A_145, %broadcast_in_dim3A_147 in 1 : vector<128x64xf32>, vector<128x64xf32> -> vector<128x128xf32>
    %swap3A_149 = arith.constant 0 : index
    %swap3A_150 = arith.constant 256 : index
    %swap3A_151 = arith.constant 0 : index
    %swap3A_152 = vector.load %arg8[%swap3A_149, %swap3A_150, %swap3A_151] : memref<1x1024x128xf32, #tpu.memory_space<vmem>>, vector<1x128x128xf32>
    %swap3A_153 = vector.shape_cast %swap3A_152 : vector<1x128x128xf32> to vector<128x128xf32>
    %swap3A_154 = vector.shape_cast %concatenate3A_148 : vector<128x128xf32> to vector<1x128x128xf32>
    tpu.vector_store %arg8[%swap3A_149, %swap3A_150, %swap3A_151], %swap3A_154 {strides = array<i32>} : memref<1x1024x128xf32, #tpu.memory_space<vmem>>, vector<1x128x128xf32>,
    %get3A_155 = arith.constant 0 : index
    %get3A_156 = arith.constant 384 : index
    %get3A_157 = arith.constant 0 : index
    %get3A_158 = vector.load %arg5[%get3A_155, %get3A_156, %get3A_157] : memref<1x1024x128xf32, #tpu.memory_space<vmem>>, vector<1x128x128xf32>
    %get3A_159 = vector.shape_cast %get3A_158 : vector<1x128x128xf32> to vector<128x128xf32>
    %slice3A_160 = vector.extract_strided_slice %concatenate3A {offsets = [1280, 0], sizes = [256, 128], strides = [1, 1]} : vector<2048x128xf32> to vector<256x128xf32>
    %slice3A_161 = vector.extract_strided_slice %concatenate3A_19 {offsets = [0, 1280], sizes = [1, 256], strides = [1, 1]} : vector<1x2048xi32> to vector<1x256xi32>
    %get3A_162 = arith.constant 0 : index
    %get3A_163 = arith.constant 384 : index
    %get3A_164 = arith.constant 0 : index
    %get3A_165 = vector.load %arg2[%get3A_162, %get3A_163, %get3A_164] : memref<1x1024x1xi32, #tpu.memory_space<vmem>>, vector<1x128x1xi32>
    %get3A_166 = vector.shape_cast %get3A_165 : vector<1x128x1xi32> to vector<128x1xi32>
    %dot_general3A_167 = arith.constant dense<0.000000e+00> : vector<128x256xf32>
    %dot_general3A_168 = tpu.matmul %get3A_159, %slice3A_160, %dot_general3A_167 {dimension_numbers = #tpu.dot_dimension_numbers<[1], [1], [0], [0], [0, 0, 1, 0], [], []>, transpose_lhs_hint = false} : vector<128x128xf32>, vector<256x128xf32>, vector<128x256xf32> -> vector<128x256xf32>
    %mul3A_169 = arith.constant 1.250000e-01 : f32
    %mul3A_170 = vector.broadcast %mul3A_169 : f32 to vector<128x256xf32>
    %mul3A_171 = arith.mulf %dot_general3A_168, %mul3A_170 : vector<128x256xf32>
    %eq3A_172 = vector.broadcast %get3A_166 : vector<128x1xi32> to vector<128x256xi32>
    %eq3A_173 = vector.broadcast %slice3A_161 : vector<1x256xi32> to vector<128x256xi32>
    %eq3A_174 = arith.cmpi eq, %eq3A_172, %eq3A_173 : vector<128x256xi32>
    %convert_element_type3A_175 = arith.extui %eq3A_174 : vector<128x256xi1> to vector<128x256xi32>
    %convert_element_type3A_176 = arith.sitofp %convert_element_type3A_175 : vector<128x256xi32> to vector<128x256xf32>
    %mul3A_177 = arith.constant 1.000000e+05 : f32
    %mul3A_178 = vector.broadcast %mul3A_177 : f32 to vector<128x256xf32>
    %mul3A_179 = arith.mulf %mul3A_178, %convert_element_type3A_176 : vector<128x256xf32>
    %sub3A_180 = arith.subf %mul3A_171, %mul3A_179 : vector<128x256xf32>
    %reduce_max3A_181 = arith.constant dense<0xFF800000> : vector<128xf32>
    %reduce_max3A_182 = vector.multi_reduction <maximumf>, %sub3A_180, %reduce_max3A_181 [1] : vector<128x256xf32> to vector<128xf32>
    %broadcast_in_dim3A_183 = vector.shape_cast %reduce_max3A_182 : vector<128xf32> to vector<128x1xf32>
    %sub3A_184 = vector.broadcast %broadcast_in_dim3A_183 : vector<128x1xf32> to vector<128x256xf32>
    %sub3A_185 = arith.subf %sub3A_180, %sub3A_184 : vector<128x256xf32>
    %exp3A_186 = math.exp %sub3A_185 : vector<128x256xf32>
    %reduce_sum3A_187 = arith.constant dense<0.000000e+00> : vector<128xf32>
    %reduce_sum3A_188 = vector.multi_reduction <add>, %exp3A_186, %reduce_sum3A_187 [1] : vector<128x256xf32> to vector<128xf32>
    %broadcast_in_dim3A_189 = vector.shape_cast %reduce_sum3A_188 : vector<128xf32> to vector<128x1xf32>
    %slice3A_190 = vector.extract_strided_slice %slice3A_160 {offsets = [0, 64], sizes = [256, 64], strides = [1, 1]} : vector<256x128xf32> to vector<256x64xf32>
    %dot_general3A_191 = arith.constant dense<0.000000e+00> : vector<128x64xf32>
    %dot_general3A_192 = tpu.matmul %exp3A_186, %slice3A_190, %dot_general3A_191 {dimension_numbers = #tpu.dot_dimension_numbers<[1], [0], [0], [1], [0, 0, 1, 1], [], []>, transpose_lhs_hint = false} : vector<128x256xf32>, vector<256x64xf32>, vector<128x64xf32> -> vector<128x64xf32>
    %div3A_193 = vector.broadcast %broadcast_in_dim3A_189 : vector<128x1xf32> to vector<128x64xf32>
    %div3A_194 = arith.divf %dot_general3A_192, %div3A_193 : vector<128x64xf32>
    %broadcast_in_dim3A_195 = arith.constant 0.000000e+00 : f32
    %broadcast_in_dim3A_196 = vector.broadcast %broadcast_in_dim3A_195 : f32 to vector<128x64xf32>
    %concatenate3A_197 = tpu.concatenate %div3A_194, %broadcast_in_dim3A_196 in 1 : vector<128x64xf32>, vector<128x64xf32> -> vector<128x128xf32>
    %swap3A_198 = arith.constant 0 : index
    %swap3A_199 = arith.constant 384 : index
    %swap3A_200 = arith.constant 0 : index
    %swap3A_201 = vector.load %arg8[%swap3A_198, %swap3A_199, %swap3A_200] : memref<1x1024x128xf32, #tpu.memory_space<vmem>>, vector<1x128x128xf32>
    %swap3A_202 = vector.shape_cast %swap3A_201 : vector<1x128x128xf32> to vector<128x128xf32>
    %swap3A_203 = vector.shape_cast %concatenate3A_197 : vector<128x128xf32> to vector<1x128x128xf32>
    tpu.vector_store %arg8[%swap3A_198, %swap3A_199, %swap3A_200], %swap3A_203 {strides = array<i32>} : memref<1x1024x128xf32, #tpu.memory_space<vmem>>, vector<1x128x128xf32>,
    %get3A_204 = arith.constant 0 : index
    %get3A_205 = arith.constant 512 : index
    %get3A_206 = arith.constant 0 : index
    %get3A_207 = vector.load %arg5[%get3A_204, %get3A_205, %get3A_206] : memref<1x1024x128xf32, #tpu.memory_space<vmem>>, vector<1x128x128xf32>
    %get3A_208 = vector.shape_cast %get3A_207 : vector<1x128x128xf32> to vector<128x128xf32>
    %slice3A_209 = vector.extract_strided_slice %concatenate3A {offsets = [1408, 0], sizes = [256, 128], strides = [1, 1]} : vector<2048x128xf32> to vector<256x128xf32>
    %slice3A_210 = vector.extract_strided_slice %concatenate3A_19 {offsets = [0, 1408], sizes = [1, 256], strides = [1, 1]} : vector<1x2048xi32> to vector<1x256xi32>
    %get3A_211 = arith.constant 0 : index
    %get3A_212 = arith.constant 512 : index
    %get3A_213 = arith.constant 0 : index
    %get3A_214 = vector.load %arg2[%get3A_211, %get3A_212, %get3A_213] : memref<1x1024x1xi32, #tpu.memory_space<vmem>>, vector<1x128x1xi32>
    %get3A_215 = vector.shape_cast %get3A_214 : vector<1x128x1xi32> to vector<128x1xi32>
    %dot_general3A_216 = arith.constant dense<0.000000e+00> : vector<128x256xf32>
    %dot_general3A_217 = tpu.matmul %get3A_208, %slice3A_209, %dot_general3A_216 {dimension_numbers = #tpu.dot_dimension_numbers<[1], [1], [0], [0], [0, 0, 1, 0], [], []>, transpose_lhs_hint = false} : vector<128x128xf32>, vector<256x128xf32>, vector<128x256xf32> -> vector<128x256xf32>
    %mul3A_218 = arith.constant 1.250000e-01 : f32
    %mul3A_219 = vector.broadcast %mul3A_218 : f32 to vector<128x256xf32>
    %mul3A_220 = arith.mulf %dot_general3A_217, %mul3A_219 : vector<128x256xf32>
    %eq3A_221 = vector.broadcast %get3A_215 : vector<128x1xi32> to vector<128x256xi32>
    %eq3A_222 = vector.broadcast %slice3A_210 : vector<1x256xi32> to vector<128x256xi32>
    %eq3A_223 = arith.cmpi eq, %eq3A_221, %eq3A_222 : vector<128x256xi32>
    %convert_element_type3A_224 = arith.extui %eq3A_223 : vector<128x256xi1> to vector<128x256xi32>
    %convert_element_type3A_225 = arith.sitofp %convert_element_type3A_224 : vector<128x256xi32> to vector<128x256xf32>
    %mul3A_226 = arith.constant 1.000000e+05 : f32
    %mul3A_227 = vector.broadcast %mul3A_226 : f32 to vector<128x256xf32>
    %mul3A_228 = arith.mulf %mul3A_227, %convert_element_type3A_225 : vector<128x256xf32>
    %sub3A_229 = arith.subf %mul3A_220, %mul3A_228 : vector<128x256xf32>
    %reduce_max3A_230 = arith.constant dense<0xFF800000> : vector<128xf32>
    %reduce_max3A_231 = vector.multi_reduction <maximumf>, %sub3A_229, %reduce_max3A_230 [1] : vector<128x256xf32> to vector<128xf32>
    %broadcast_in_dim3A_232 = vector.shape_cast %reduce_max3A_231 : vector<128xf32> to vector<128x1xf32>
    %sub3A_233 = vector.broadcast %broadcast_in_dim3A_232 : vector<128x1xf32> to vector<128x256xf32>
    %sub3A_234 = arith.subf %sub3A_229, %sub3A_233 : vector<128x256xf32>
    %exp3A_235 = math.exp %sub3A_234 : vector<128x256xf32>
    %reduce_sum3A_236 = arith.constant dense<0.000000e+00> : vector<128xf32>
    %reduce_sum3A_237 = vector.multi_reduction <add>, %exp3A_235, %reduce_sum3A_236 [1] : vector<128x256xf32> to vector<128xf32>
    %broadcast_in_dim3A_238 = vector.shape_cast %reduce_sum3A_237 : vector<128xf32> to vector<128x1xf32>
    %slice3A_239 = vector.extract_strided_slice %slice3A_209 {offsets = [0, 64], sizes = [256, 64], strides = [1, 1]} : vector<256x128xf32> to vector<256x64xf32>
    %dot_general3A_240 = arith.constant dense<0.000000e+00> : vector<128x64xf32>
    %dot_general3A_241 = tpu.matmul %exp3A_235, %slice3A_239, %dot_general3A_240 {dimension_numbers = #tpu.dot_dimension_numbers<[1], [0], [0], [1], [0, 0, 1, 1], [], []>, transpose_lhs_hint = false} : vector<128x256xf32>, vector<256x64xf32>, vector<128x64xf32> -> vector<128x64xf32>
    %div3A_242 = vector.broadcast %broadcast_in_dim3A_238 : vector<128x1xf32> to vector<128x64xf32>
    %div3A_243 = arith.divf %dot_general3A_241, %div3A_242 : vector<128x64xf32>
    %broadcast_in_dim3A_244 = arith.constant 0.000000e+00 : f32
    %broadcast_in_dim3A_245 = vector.broadcast %broadcast_in_dim3A_244 : f32 to vector<128x64xf32>
    %concatenate3A_246 = tpu.concatenate %div3A_243, %broadcast_in_dim3A_245 in 1 : vector<128x64xf32>, vector<128x64xf32> -> vector<128x128xf32>
    %swap3A_247 = arith.constant 0 : index
    %swap3A_248 = arith.constant 512 : index
    %swap3A_249 = arith.constant 0 : index
    %swap3A_250 = vector.load %arg8[%swap3A_247, %swap3A_248, %swap3A_249] : memref<1x1024x128xf32, #tpu.memory_space<vmem>>, vector<1x128x128xf32>
    %swap3A_251 = vector.shape_cast %swap3A_250 : vector<1x128x128xf32> to vector<128x128xf32>
    %swap3A_252 = vector.shape_cast %concatenate3A_246 : vector<128x128xf32> to vector<1x128x128xf32>
    tpu.vector_store %arg8[%swap3A_247, %swap3A_248, %swap3A_249], %swap3A_252 {strides = array<i32>} : memref<1x1024x128xf32, #tpu.memory_space<vmem>>, vector<1x128x128xf32>,
    %get3A_253 = arith.constant 0 : index
    %get3A_254 = arith.constant 640 : index
    %get3A_255 = arith.constant 0 : index
    %get3A_256 = vector.load %arg5[%get3A_253, %get3A_254, %get3A_255] : memref<1x1024x128xf32, #tpu.memory_space<vmem>>, vector<1x128x128xf32>
    %get3A_257 = vector.shape_cast %get3A_256 : vector<1x128x128xf32> to vector<128x128xf32>
    %slice3A_258 = vector.extract_strided_slice %concatenate3A {offsets = [1536, 0], sizes = [256, 128], strides = [1, 1]} : vector<2048x128xf32> to vector<256x128xf32>
    %slice3A_259 = vector.extract_strided_slice %concatenate3A_19 {offsets = [0, 1536], sizes = [1, 256], strides = [1, 1]} : vector<1x2048xi32> to vector<1x256xi32>
    %get3A_260 = arith.constant 0 : index
    %get3A_261 = arith.constant 640 : index
    %get3A_262 = arith.constant 0 : index
    %get3A_263 = vector.load %arg2[%get3A_260, %get3A_261, %get3A_262] : memref<1x1024x1xi32, #tpu.memory_space<vmem>>, vector<1x128x1xi32>
    %get3A_264 = vector.shape_cast %get3A_263 : vector<1x128x1xi32> to vector<128x1xi32>
    %dot_general3A_265 = arith.constant dense<0.000000e+00> : vector<128x256xf32>
    %dot_general3A_266 = tpu.matmul %get3A_257, %slice3A_258, %dot_general3A_265 {dimension_numbers = #tpu.dot_dimension_numbers<[1], [1], [0], [0], [0, 0, 1, 0], [], []>, transpose_lhs_hint = false} : vector<128x128xf32>, vector<256x128xf32>, vector<128x256xf32> -> vector<128x256xf32>
    %mul3A_267 = arith.constant 1.250000e-01 : f32
    %mul3A_268 = vector.broadcast %mul3A_267 : f32 to vector<128x256xf32>
    %mul3A_269 = arith.mulf %dot_general3A_266, %mul3A_268 : vector<128x256xf32>
    %eq3A_270 = vector.broadcast %get3A_264 : vector<128x1xi32> to vector<128x256xi32>
    %eq3A_271 = vector.broadcast %slice3A_259 : vector<1x256xi32> to vector<128x256xi32>
    %eq3A_272 = arith.cmpi eq, %eq3A_270, %eq3A_271 : vector<128x256xi32>
    %convert_element_type3A_273 = arith.extui %eq3A_272 : vector<128x256xi1> to vector<128x256xi32>
    %convert_element_type3A_274 = arith.sitofp %convert_element_type3A_273 : vector<128x256xi32> to vector<128x256xf32>
    %mul3A_275 = arith.constant 1.000000e+05 : f32
    %mul3A_276 = vector.broadcast %mul3A_275 : f32 to vector<128x256xf32>
    %mul3A_277 = arith.mulf %mul3A_276, %convert_element_type3A_274 : vector<128x256xf32>
    %sub3A_278 = arith.subf %mul3A_269, %mul3A_277 : vector<128x256xf32>
    %reduce_max3A_279 = arith.constant dense<0xFF800000> : vector<128xf32>
    %reduce_max3A_280 = vector.multi_reduction <maximumf>, %sub3A_278, %reduce_max3A_279 [1] : vector<128x256xf32> to vector<128xf32>
    %broadcast_in_dim3A_281 = vector.shape_cast %reduce_max3A_280 : vector<128xf32> to vector<128x1xf32>
    %sub3A_282 = vector.broadcast %broadcast_in_dim3A_281 : vector<128x1xf32> to vector<128x256xf32>
    %sub3A_283 = arith.subf %sub3A_278, %sub3A_282 : vector<128x256xf32>
    %exp3A_284 = math.exp %sub3A_283 : vector<128x256xf32>
    %reduce_sum3A_285 = arith.constant dense<0.000000e+00> : vector<128xf32>
    %reduce_sum3A_286 = vector.multi_reduction <add>, %exp3A_284, %reduce_sum3A_285 [1] : vector<128x256xf32> to vector<128xf32>
    %broadcast_in_dim3A_287 = vector.shape_cast %reduce_sum3A_286 : vector<128xf32> to vector<128x1xf32>
    %slice3A_288 = vector.extract_strided_slice %slice3A_258 {offsets = [0, 64], sizes = [256, 64], strides = [1, 1]} : vector<256x128xf32> to vector<256x64xf32>
    %dot_general3A_289 = arith.constant dense<0.000000e+00> : vector<128x64xf32>
    %dot_general3A_290 = tpu.matmul %exp3A_284, %slice3A_288, %dot_general3A_289 {dimension_numbers = #tpu.dot_dimension_numbers<[1], [0], [0], [1], [0, 0, 1, 1], [], []>, transpose_lhs_hint = false} : vector<128x256xf32>, vector<256x64xf32>, vector<128x64xf32> -> vector<128x64xf32>
    %div3A_291 = vector.broadcast %broadcast_in_dim3A_287 : vector<128x1xf32> to vector<128x64xf32>
    %div3A_292 = arith.divf %dot_general3A_290, %div3A_291 : vector<128x64xf32>
    %broadcast_in_dim3A_293 = arith.constant 0.000000e+00 : f32
    %broadcast_in_dim3A_294 = vector.broadcast %broadcast_in_dim3A_293 : f32 to vector<128x64xf32>
    %concatenate3A_295 = tpu.concatenate %div3A_292, %broadcast_in_dim3A_294 in 1 : vector<128x64xf32>, vector<128x64xf32> -> vector<128x128xf32>
    %swap3A_296 = arith.constant 0 : index
    %swap3A_297 = arith.constant 640 : index
    %swap3A_298 = arith.constant 0 : index
    %swap3A_299 = vector.load %arg8[%swap3A_296, %swap3A_297, %swap3A_298] : memref<1x1024x128xf32, #tpu.memory_space<vmem>>, vector<1x128x128xf32>
    %swap3A_300 = vector.shape_cast %swap3A_299 : vector<1x128x128xf32> to vector<128x128xf32>
    %swap3A_301 = vector.shape_cast %concatenate3A_295 : vector<128x128xf32> to vector<1x128x128xf32>
    tpu.vector_store %arg8[%swap3A_296, %swap3A_297, %swap3A_298], %swap3A_301 {strides = array<i32>} : memref<1x1024x128xf32, #tpu.memory_space<vmem>>, vector<1x128x128xf32>,
    %get3A_302 = arith.constant 0 : index
    %get3A_303 = arith.constant 768 : index
    %get3A_304 = arith.constant 0 : index
    %get3A_305 = vector.load %arg5[%get3A_302, %get3A_303, %get3A_304] : memref<1x1024x128xf32, #tpu.memory_space<vmem>>, vector<1x128x128xf32>
    %get3A_306 = vector.shape_cast %get3A_305 : vector<1x128x128xf32> to vector<128x128xf32>
    %slice3A_307 = vector.extract_strided_slice %concatenate3A {offsets = [1664, 0], sizes = [256, 128], strides = [1, 1]} : vector<2048x128xf32> to vector<256x128xf32>
    %slice3A_308 = vector.extract_strided_slice %concatenate3A_19 {offsets = [0, 1664], sizes = [1, 256], strides = [1, 1]} : vector<1x2048xi32> to vector<1x256xi32>
    %get3A_309 = arith.constant 0 : index
    %get3A_310 = arith.constant 768 : index
    %get3A_311 = arith.constant 0 : index
    %get3A_312 = vector.load %arg2[%get3A_309, %get3A_310, %get3A_311] : memref<1x1024x1xi32, #tpu.memory_space<vmem>>, vector<1x128x1xi32>
    %get3A_313 = vector.shape_cast %get3A_312 : vector<1x128x1xi32> to vector<128x1xi32>
    %dot_general3A_314 = arith.constant dense<0.000000e+00> : vector<128x256xf32>
    %dot_general3A_315 = tpu.matmul %get3A_306, %slice3A_307, %dot_general3A_314 {dimension_numbers = #tpu.dot_dimension_numbers<[1], [1], [0], [0], [0, 0, 1, 0], [], []>, transpose_lhs_hint = false} : vector<128x128xf32>, vector<256x128xf32>, vector<128x256xf32> -> vector<128x256xf32>
    %mul3A_316 = arith.constant 1.250000e-01 : f32
    %mul3A_317 = vector.broadcast %mul3A_316 : f32 to vector<128x256xf32>
    %mul3A_318 = arith.mulf %dot_general3A_315, %mul3A_317 : vector<128x256xf32>
    %eq3A_319 = vector.broadcast %get3A_313 : vector<128x1xi32> to vector<128x256xi32>
    %eq3A_320 = vector.broadcast %slice3A_308 : vector<1x256xi32> to vector<128x256xi32>
    %eq3A_321 = arith.cmpi eq, %eq3A_319, %eq3A_320 : vector<128x256xi32>
    %convert_element_type3A_322 = arith.extui %eq3A_321 : vector<128x256xi1> to vector<128x256xi32>
    %convert_element_type3A_323 = arith.sitofp %convert_element_type3A_322 : vector<128x256xi32> to vector<128x256xf32>
    %mul3A_324 = arith.constant 1.000000e+05 : f32
    %mul3A_325 = vector.broadcast %mul3A_324 : f32 to vector<128x256xf32>
    %mul3A_326 = arith.mulf %mul3A_325, %convert_element_type3A_323 : vector<128x256xf32>
    %sub3A_327 = arith.subf %mul3A_318, %mul3A_326 : vector<128x256xf32>
    %reduce_max3A_328 = arith.constant dense<0xFF800000> : vector<128xf32>
    %reduce_max3A_329 = vector.multi_reduction <maximumf>, %sub3A_327, %reduce_max3A_328 [1] : vector<128x256xf32> to vector<128xf32>
    %broadcast_in_dim3A_330 = vector.shape_cast %reduce_max3A_329 : vector<128xf32> to vector<128x1xf32>
    %sub3A_331 = vector.broadcast %broadcast_in_dim3A_330 : vector<128x1xf32> to vector<128x256xf32>
    %sub3A_332 = arith.subf %sub3A_327, %sub3A_331 : vector<128x256xf32>
    %exp3A_333 = math.exp %sub3A_332 : vector<128x256xf32>
    %reduce_sum3A_334 = arith.constant dense<0.000000e+00> : vector<128xf32>
    %reduce_sum3A_335 = vector.multi_reduction <add>, %exp3A_333, %reduce_sum3A_334 [1] : vector<128x256xf32> to vector<128xf32>
    %broadcast_in_dim3A_336 = vector.shape_cast %reduce_sum3A_335 : vector<128xf32> to vector<128x1xf32>
    %slice3A_337 = vector.extract_strided_slice %slice3A_307 {offsets = [0, 64], sizes = [256, 64], strides = [1, 1]} : vector<256x128xf32> to vector<256x64xf32>
    %dot_general3A_338 = arith.constant dense<0.000000e+00> : vector<128x64xf32>
    %dot_general3A_339 = tpu.matmul %exp3A_333, %slice3A_337, %dot_general3A_338 {dimension_numbers = #tpu.dot_dimension_numbers<[1], [0], [0], [1], [0, 0, 1, 1], [], []>, transpose_lhs_hint = false} : vector<128x256xf32>, vector<256x64xf32>, vector<128x64xf32> -> vector<128x64xf32>
    %div3A_340 = vector.broadcast %broadcast_in_dim3A_336 : vector<128x1xf32> to vector<128x64xf32>
    %div3A_341 = arith.divf %dot_general3A_339, %div3A_340 : vector<128x64xf32>
    %broadcast_in_dim3A_342 = arith.constant 0.000000e+00 : f32
    %broadcast_in_dim3A_343 = vector.broadcast %broadcast_in_dim3A_342 : f32 to vector<128x64xf32>
    %concatenate3A_344 = tpu.concatenate %div3A_341, %broadcast_in_dim3A_343 in 1 : vector<128x64xf32>, vector<128x64xf32> -> vector<128x128xf32>
    %swap3A_345 = arith.constant 0 : index
    %swap3A_346 = arith.constant 768 : index
    %swap3A_347 = arith.constant 0 : index
    %swap3A_348 = vector.load %arg8[%swap3A_345, %swap3A_346, %swap3A_347] : memref<1x1024x128xf32, #tpu.memory_space<vmem>>, vector<1x128x128xf32>
    %swap3A_349 = vector.shape_cast %swap3A_348 : vector<1x128x128xf32> to vector<128x128xf32>
    %swap3A_350 = vector.shape_cast %concatenate3A_344 : vector<128x128xf32> to vector<1x128x128xf32>
    tpu.vector_store %arg8[%swap3A_345, %swap3A_346, %swap3A_347], %swap3A_350 {strides = array<i32>} : memref<1x1024x128xf32, #tpu.memory_space<vmem>>, vector<1x128x128xf32>,
    %get3A_351 = arith.constant 0 : index
    %get3A_352 = arith.constant 896 : index
    %get3A_353 = arith.constant 0 : index
    %get3A_354 = vector.load %arg5[%get3A_351, %get3A_352, %get3A_353] : memref<1x1024x128xf32, #tpu.memory_space<vmem>>, vector<1x128x128xf32>
    %get3A_355 = vector.shape_cast %get3A_354 : vector<1x128x128xf32> to vector<128x128xf32>
    %slice3A_356 = vector.extract_strided_slice %concatenate3A {offsets = [1792, 0], sizes = [256, 128], strides = [1, 1]} : vector<2048x128xf32> to vector<256x128xf32>
    %slice3A_357 = vector.extract_strided_slice %concatenate3A_19 {offsets = [0, 1792], sizes = [1, 256], strides = [1, 1]} : vector<1x2048xi32> to vector<1x256xi32>
    %get3A_358 = arith.constant 0 : index
    %get3A_359 = arith.constant 896 : index
    %get3A_360 = arith.constant 0 : index
    %get3A_361 = vector.load %arg2[%get3A_358, %get3A_359, %get3A_360] : memref<1x1024x1xi32, #tpu.memory_space<vmem>>, vector<1x128x1xi32>
    %get3A_362 = vector.shape_cast %get3A_361 : vector<1x128x1xi32> to vector<128x1xi32>
    %dot_general3A_363 = arith.constant dense<0.000000e+00> : vector<128x256xf32>
    %dot_general3A_364 = tpu.matmul %get3A_355, %slice3A_356, %dot_general3A_363 {dimension_numbers = #tpu.dot_dimension_numbers<[1], [1], [0], [0], [0, 0, 1, 0], [], []>, transpose_lhs_hint = false} : vector<128x128xf32>, vector<256x128xf32>, vector<128x256xf32> -> vector<128x256xf32>
    %mul3A_365 = arith.constant 1.250000e-01 : f32
    %mul3A_366 = vector.broadcast %mul3A_365 : f32 to vector<128x256xf32>
    %mul3A_367 = arith.mulf %dot_general3A_364, %mul3A_366 : vector<128x256xf32>
    %eq3A_368 = vector.broadcast %get3A_362 : vector<128x1xi32> to vector<128x256xi32>
    %eq3A_369 = vector.broadcast %slice3A_357 : vector<1x256xi32> to vector<128x256xi32>
    %eq3A_370 = arith.cmpi eq, %eq3A_368, %eq3A_369 : vector<128x256xi32>
    %convert_element_type3A_371 = arith.extui %eq3A_370 : vector<128x256xi1> to vector<128x256xi32>
    %convert_element_type3A_372 = arith.sitofp %convert_element_type3A_371 : vector<128x256xi32> to vector<128x256xf32>
    %mul3A_373 = arith.constant 1.000000e+05 : f32
    %mul3A_374 = vector.broadcast %mul3A_373 : f32 to vector<128x256xf32>
    %mul3A_375 = arith.mulf %mul3A_374, %convert_element_type3A_372 : vector<128x256xf32>
    %sub3A_376 = arith.subf %mul3A_367, %mul3A_375 : vector<128x256xf32>
    %reduce_max3A_377 = arith.constant dense<0xFF800000> : vector<128xf32>
    %reduce_max3A_378 = vector.multi_reduction <maximumf>, %sub3A_376, %reduce_max3A_377 [1] : vector<128x256xf32> to vector<128xf32>
    %broadcast_in_dim3A_379 = vector.shape_cast %reduce_max3A_378 : vector<128xf32> to vector<128x1xf32>
    %sub3A_380 = vector.broadcast %broadcast_in_dim3A_379 : vector<128x1xf32> to vector<128x256xf32>
    %sub3A_381 = arith.subf %sub3A_376, %sub3A_380 : vector<128x256xf32>
    %exp3A_382 = math.exp %sub3A_381 : vector<128x256xf32>
    %reduce_sum3A_383 = arith.constant dense<0.000000e+00> : vector<128xf32>
    %reduce_sum3A_384 = vector.multi_reduction <add>, %exp3A_382, %reduce_sum3A_383 [1] : vector<128x256xf32> to vector<128xf32>
    %broadcast_in_dim3A_385 = vector.shape_cast %reduce_sum3A_384 : vector<128xf32> to vector<128x1xf32>
    %slice3A_386 = vector.extract_strided_slice %slice3A_356 {offsets = [0, 64], sizes = [256, 64], strides = [1, 1]} : vector<256x128xf32> to vector<256x64xf32>
    %dot_general3A_387 = arith.constant dense<0.000000e+00> : vector<128x64xf32>
    %dot_general3A_388 = tpu.matmul %exp3A_382, %slice3A_386, %dot_general3A_387 {dimension_numbers = #tpu.dot_dimension_numbers<[1], [0], [0], [1], [0, 0, 1, 1], [], []>, transpose_lhs_hint = false} : vector<128x256xf32>, vector<256x64xf32>, vector<128x64xf32> -> vector<128x64xf32>
    %div3A_389 = vector.broadcast %broadcast_in_dim3A_385 : vector<128x1xf32> to vector<128x64xf32>
    %div3A_390 = arith.divf %dot_general3A_388, %div3A_389 : vector<128x64xf32>
    %broadcast_in_dim3A_391 = arith.constant 0.000000e+00 : f32
    %broadcast_in_dim3A_392 = vector.broadcast %broadcast_in_dim3A_391 : f32 to vector<128x64xf32>
    %concatenate3A_393 = tpu.concatenate %div3A_390, %broadcast_in_dim3A_392 in 1 : vector<128x64xf32>, vector<128x64xf32> -> vector<128x128xf32>
    %swap3A_394 = arith.constant 0 : index
    %swap3A_395 = arith.constant 896 : index
    %swap3A_396 = arith.constant 0 : index
    %swap3A_397 = vector.load %arg8[%swap3A_394, %swap3A_395, %swap3A_396] : memref<1x1024x128xf32, #tpu.memory_space<vmem>>, vector<1x128x128xf32>
    %swap3A_398 = vector.shape_cast %swap3A_397 : vector<1x128x128xf32> to vector<128x128xf32>
    %swap3A_399 = vector.shape_cast %concatenate3A_393 : vector<128x128xf32> to vector<1x128x128xf32>
    tpu.vector_store %arg8[%swap3A_394, %swap3A_395, %swap3A_396], %swap3A_399 {strides = array<i32>} : memref<1x1024x128xf32, #tpu.memory_space<vmem>>, vector<1x128x128xf32>,
    return
  }
  func.func @transform_0(%arg0: i32, %arg1: i32) -> (i32, i32, i32) {
    %c0_i32 = arith.constant 0 : i32
    %c0_i32_0 = arith.constant 0 : i32
    return %arg0, %arg1, %c0_i32 : i32, i32, i32
  }
  func.func @transform_1(%arg0: i32, %arg1: i32) -> (i32, i32, i32) {
    %mul3A = arith.constant 8 : i32
    %mul3A_0 = arith.muli %arg0, %mul3A : i32
    %add3A = arith.constant 8 : i32
    %add3A_1 = arith.addi %arg1, %add3A : i32
    %sub3A = arith.constant 1 : i32
    %sub3A_2 = arith.subi %add3A_1, %sub3A : i32
    %jit3A = arith.constant 8 : i32
    %eq3A = arith.constant 0 : i32
    %eq3A_3 = arith.cmpi eq, %jit3A, %eq3A : i32
    %jit3A_4 = arith.constant 1 : i32
    %select_n3A = arith.select %eq3A_3, %jit3A_4, %jit3A : i32
    %rem3A = arith.remsi %sub3A_2, %select_n3A : i32
    %ne3A = arith.constant 0 : i32
    %ne3A_5 = arith.cmpi ne, %rem3A, %ne3A : i32
    %lt3A = arith.constant 0 : i32
    %lt3A_6 = arith.cmpi slt, %rem3A, %lt3A : i32
    %lt3A_7 = arith.constant 0 : i32
    %lt3A_8 = arith.cmpi slt, %select_n3A, %lt3A_7 : i32
    %ne3A_9 = arith.xori %lt3A_6, %lt3A_8 : i1
    %and3A = arith.andi %ne3A_9, %ne3A_5 : i1
    %add3A_10 = arith.addi %rem3A, %select_n3A : i32
    %select_n3A_11 = arith.select %and3A, %add3A_10, %rem3A : i32
    %add3A_12 = arith.addi %mul3A_0, %select_n3A_11 : i32
    %c0_i32 = arith.constant 0 : i32
    %c0_i32_13 = arith.constant 0 : i32
    %c0_i32_14 = arith.constant 0 : i32
    return %add3A_12, %c0_i32, %c0_i32_13 : i32, i32, i32
  }
  func.func @transform_2(%arg0: i32, %arg1: i32) -> (i32, i32, i32) {
    %mul3A = arith.constant 8 : i32
    %mul3A_0 = arith.muli %arg0, %mul3A : i32
    %add3A = arith.addi %mul3A_0, %arg1 : i32
    %c0_i32 = arith.constant 0 : i32
    %c0_i32_1 = arith.constant 0 : i32
    %c0_i32_2 = arith.constant 0 : i32
    return %add3A, %c0_i32, %c0_i32_1 : i32, i32, i32
  }
  func.func @transform_3(%arg0: i32, %arg1: i32) -> (i32, i32, i32) {
    %c0_i32 = arith.constant 0 : i32
    %c0_i32_0 = arith.constant 0 : i32
    return %arg0, %arg1, %c0_i32 : i32, i32, i32
  }
  func.func @transform_4(%arg0: i32, %arg1: i32) -> (i32, i32, i32) {
    %add3A = arith.constant 8 : i32
    %add3A_0 = arith.addi %arg1, %add3A : i32
    %sub3A = arith.constant 1 : i32
    %sub3A_1 = arith.subi %add3A_0, %sub3A : i32
    %jit3A = arith.constant 8 : i32
    %eq3A = arith.constant 0 : i32
    %eq3A_2 = arith.cmpi eq, %jit3A, %eq3A : i32
    %jit3A_3 = arith.constant 1 : i32
    %select_n3A = arith.select %eq3A_2, %jit3A_3, %jit3A : i32
    %rem3A = arith.remsi %sub3A_1, %select_n3A : i32
    %ne3A = arith.constant 0 : i32
    %ne3A_4 = arith.cmpi ne, %rem3A, %ne3A : i32
    %lt3A = arith.constant 0 : i32
    %lt3A_5 = arith.cmpi slt, %rem3A, %lt3A : i32
    %lt3A_6 = arith.constant 0 : i32
    %lt3A_7 = arith.cmpi slt, %select_n3A, %lt3A_6 : i32
    %ne3A_8 = arith.xori %lt3A_5, %lt3A_7 : i1
    %and3A = arith.andi %ne3A_8, %ne3A_4 : i1
    %add3A_9 = arith.addi %rem3A, %select_n3A : i32
    %select_n3A_10 = arith.select %and3A, %add3A_9, %rem3A : i32
    %c0_i32 = arith.constant 0 : i32
    %c0_i32_11 = arith.constant 0 : i32
    return %arg0, %select_n3A_10, %c0_i32 : i32, i32, i32
  }
  func.func @transform_5(%arg0: i32, %arg1: i32) -> (i32, i32, i32) {
    %c0_i32 = arith.constant 0 : i32
    %c0_i32_0 = arith.constant 0 : i32
    return %arg0, %arg1, %c0_i32 : i32, i32, i32
  }
  func.func @transform_6(%arg0: i32, %arg1: i32) -> (i32, i32, i32) {
    %c0_i32 = arith.constant 0 : i32
    %c0_i32_0 = arith.constant 0 : i32
    return %arg0, %arg1, %c0_i32 : i32, i32, i32
  }
}

</mosaic_0001>

<sc_bundles>
// kernel: kernel.5.cloned.1.call-start
scs
__scs_entry_jumppad:
0x0: {  	(pc) =	sbr.rel $0x88, $3  }
0x1: {  	(tag) =	ssettag $0x0;
	lr =	simm.s32 $0x1  }
0x2: {  	[smem:$0x3F9B] =	sst lr;
	_ =	strace $0xD0000000  }
0x3: {  	_ = 	snop  }
0x4: {  	_ = 	snop  }
0x5: {  	_ = 	snop  }
0x6: {  	_ = 	snop  }
0x7: {  	_ = 	snop  }
__scs_overlays_trampoline_lowered:
0x8: {  	[smem:$0x3FAA] =	sst s0  }
0x9: {  	[smem:$0x3FAB] =	sst s1  }
0xa: {  	[smem:$0x3FAC] =	sst s2  }
0xb: {  	[smem:$0x3FAD] =	sst s3  }
0xc: {  	[smem:$0x3FAE] =	sst s4  }
0xd: {  	[smem:$0x3FAF] =	sst s5  }
0xe: {  	[smem:$0x3FB0] =	sst s6  }
0xf: {  	[smem:$0x3FB1] =	sst s7  }
0x10: {  	[smem:$0x3FB2] =	sst s8  }
0x11: {  	[smem:$0x3FB3] =	sst s9;
	s0 =	simm.s32 @!p0 $0x0  }
0x12: {  	s1 =	sld [smem:$0x3F99];
	s0 =	simm.s32 @p0 $0x1  }
0x13: {  	[smem:$0x3FB4] =	sst s0;
	s0 =	simm.s32 @!p1 $0x0  }
0x14: {  	s2 =	sld [smem:$0x3F98];
	s0 =	simm.s32 @p1 $0x1  }
0x15: {  	[smem:$0x3FB5] =	sst s0;
	s0 =	simm.s32 @!p2 $0x0  }
0x16: {  	s3 =	sld [smem:$0x3FDB];
	s0 =	simm.s32 @p2 $0x1  }
0x17: {  	s4 =	simm.s32 $0x1BF5;
	[smem:$0x3FB7] =	sst s0  }
0x18: {  	s0 =	sld [smem:$0x3F9A];
	_ =	swait.ge [sflag:s4], $0x0  }
0x19: {  	s7 =	sld [smem:$0x3F9B]  }
0x1a: {  	s8 =	sadd.s32 $0xFFFFE003, lr  }
0x1b: {  	s9 =	sadd.s32 $0xFFFFFEF7, lr;
	s5 =	simm.s32 $0xFFFFFFFF;
	p2 =	slt.u32 s8, $0xFFFFF086  }
0x1c: {  	p1 =	slt.u32 s9, $0xF7A;
	s5 =	simm.s32 @!p2 $0x0  }
0x1d: {  	s5 =	simm.s32 @p1 $0x1;
	p0 =	seq.s32 s7, s2  }
0x1e: {  	s7 =	smul.u32 @!p0 $0xF7A, s2;
	p2 =	seq.s32 @!p0 s5, $0x0  }
0x1f: {  	s9 =	smul.u32 $0xF7A, s1;
	s8 =	simm.s32 @!p0 $0x1BF5;
	p2 =	por !p2, p0  }
0x20: {  	[sflag:s8] =	ssyncset.s32 @!p0 $0xFFFFF086;
	s6 =	sadd.s32 @!p0 s3, s7;
	s7 =	simm.s32 @!p0 $0x108  }
0x21: {  	s3 =	sadd.s32 s3, s9;
	s6 =	sadd.s32 @!p0 $0x88, s6;
	s7 =	simm.s32 @p2 $0x1082  }
0x22: {  	[simem:s7], [sflag:s8] =	dma.local @!p0 [hbm:s6], $0xF7A  }
0x23: {  	s9 =	sor.u32 $0xD0000000, s2;
	s6 =	simm.s32 $0x108;
	_ =	swait.ge @!p0 [sflag:s8], $0x0  }
0x24: {  	s3 =	sadd.s32 $0x88, s3;
	s6 =	simm.s32 @!p1 $0x1082;
	[sflag:s4] =	ssyncset.s32 $0xFFFFF086  }
0x25: {  	[simem:s6], [sflag:s4] =	dma.local [hbm:s3], $0xF7A  }
0x26: {  	[smem:$0x3F9B] =	sst s1;
	(tag) =	ssettag s2;
	_ =	strace s9  }
0x27: {  	s1 =	sld [smem:$0x3FAB]  }
0x28: {  	s2 =	sld [smem:$0x3FAC]  }
0x29: {  	s4 =	sld [smem:$0x3FAE]  }
0x2a: {  	p0 =	seq.s32 s5, $0x0;
	s5 =	sld [smem:$0x3FAF]  }
0x2b: {  	s6 =	sld [smem:$0x3FB0]  }
0x2c: {  	s7 =	sld [smem:$0x3FB1]  }
0x2d: {  	s3 =	simm.s32 $0x108;
	s8 =	sld [smem:$0x3FB2]  }
0x2e: {  	s3 =	simm.s32 @!p0 $0x1082;
	s9 =	sld [smem:$0x3FB3]  }
0x2f: {  	lr =	sadd.s32 s0, s3;
	s0 =	sld [smem:$0x3FAA]  }
0x30: {  	s3 =	sld [smem:$0x3FAD]  }
0x31: {  	[smem:$0x3FB6] =	sst s10  }
0x32: {  	s10 =	sld [smem:$0x3FB4];
	_ =	sdelay $0x3  }
0x33: {  	p0 =	seq.s32 s10, $0x1;
	s10 =	sld [smem:$0x3FB6];
	_ =	sdelay $0x3  }
0x34: {  	[smem:$0x3FB6] =	sst s10  }
0x35: {  	s10 =	sld [smem:$0x3FB5];
	_ =	sdelay $0x3  }
0x36: {  	p1 =	seq.s32 s10, $0x1;
	s10 =	sld [smem:$0x3FB6];
	_ =	sdelay $0x3  }
0x37: {  	[smem:$0x3FB6] =	sst s10  }
0x38: {  	s10 =	sld [smem:$0x3FB7]  }
0x39: {  	_ = 	snop;
	(pc) =	sbr.ind lr, $3  }
0x3a: {  	_ = 	snop  }
0x3b: {  	_ = 	snop  }
0x3c: {  	p2 =	seq.s32 s10, $0x1;
	s10 =	sld [smem:$0x3FB6]  }
0x3d: {  	_ =	shalt  }
0x3e: {  	_ =	shalt  }
0x3f: {  	_ =	shalt  }
0x40: {  	_ =	shalt  }
0x41: {  	_ =	shalt  }
0x42: {  	_ =	shalt  }
0x43: {  	_ =	shalt  }
0x44: {  	_ =	shalt  }
0x45: {  	_ =	shalt  }
0x46: {  	_ =	shalt  }
0x47: {  	_ =	shalt  }
0x48: {  	_ =	shalt  }
0x49: {  	_ =	shalt  }
0x4a: {  	_ =	shalt  }
0x4b: {  	_ =	shalt  }
0x4c: {  	_ =	shalt  }
0x4d: {  	_ =	shalt  }
0x4e: {  	_ =	shalt  }
0x4f: {  	_ =	shalt  }
0x50: {  	_ =	shalt  }
0x51: {  	_ =	shalt  }
0x52: {  	_ =	shalt  }
0x53: {  	_ =	shalt  }
0x54: {  	_ =	shalt  }
0x55: {  	_ =	shalt  }
0x56: {  	_ =	shalt  }
0x57: {  	_ =	shalt  }
0x58: {  	_ =	shalt  }
0x59: {  	_ =	shalt  }
0x5a: {  	_ =	shalt  }
0x5b: {  	_ =	shalt  }
0x5c: {  	_ =	shalt  }
0x5d: {  	_ =	shalt  }
0x5e: {  	_ =	shalt  }
0x5f: {  	_ =	shalt  }
0x60: {  	_ =	shalt  }
0x61: {  	_ =	shalt  }
0x62: {  	_ =	shalt  }
0x63: {  	_ =	shalt  }
0x64: {  	_ =	shalt  }
0x65: {  	_ =	shalt  }
0x66: {  	_ =	shalt  }
0x67: {  	_ =	shalt  }
0x68: {  	_ =	shalt  }
0x69: {  	_ =	shalt  }
0x6a: {  	_ =	shalt  }
0x6b: {  	_ =	shalt  }
0x6c: {  	_ =	shalt  }
0x6d: {  	_ =	shalt  }
0x6e: {  	_ =	shalt  }
0x6f: {  	_ =	shalt  }
0x70: {  	_ =	shalt  }
0x71: {  	_ =	shalt  }
0x72: {  	_ =	shalt  }
0x73: {  	_ =	shalt  }
0x74: {  	_ =	shalt  }
0x75: {  	_ =	shalt  }
0x76: {  	_ =	shalt  }
0x77: {  	_ =	shalt  }
0x78: {  	_ =	shalt  }
0x79: {  	_ =	shalt  }
0x7a: {  	_ =	shalt  }
0x7b: {  	_ =	shalt  }
0x7c: {  	_ =	shalt  }
0x7d: {  	_ =	shalt  }
0x7e: {  	_ =	shalt  }
0x7f: {  	_ =	shalt  }
0x80: {  	_ =	shalt  }
0x81: {  	_ =	shalt  }
0x82: {  	_ =	shalt  }
0x83: {  	_ =	shalt  }
0x84: {  	_ =	shalt  }
0x85: {  	_ =	shalt  }
0x86: {  	_ =	shalt  }
0x87: {  	_ =	shalt  }
.Lfunc_end0:
.L_simem_size_0:
called_computation.2_lowered:
.L_overlay_start_0:
0x88: {  	s2 =	sld [smem:$0x3FD9]  }
0x89: {  	s3 =	sld [smem:$0x3FFE];
	_ =	sdelay $0x1  }
0x8a: {  	s1 =	srdreg.scid  }
0x8b: {  	s0 =	sand.u32 $0x1, s1  }
0x8c: {  	s16 =	sshll.u32 s0, $0xA;
	s2 =	sadd.s32 s3, s2  }
0x8d: {  	s2 =	sadd.s32 s2, s16  }
0x8e: {  	[smem:$0x3FC2] =	sst s2  }
0x8f: {  	_ = 	snop  }
0x90: {  	(tm) =	ssettm $0x1  }
0x91: {  	s17 =	sld [smem:$0x3FFB];
	_ =	sdelay $0x3  }
0x92: {  	_ =	strace s17  }
0x93: {  	s2 =	sld [smem:$0x3FFC];
	_ =	sdelay $0x3  }
0x94: {  	_ =	strace s2  }
0x95: {  	s2 =	sld [smem:$0x3FFD];
	_ =	sdelay $0x3  }
0x96: {  	_ =	strace s2  }
0x97: {  	_ =	strace $0x8FFFFFFF  }
0x98: {  	s18 =	sld [smem:$0x3FDB];
	_ =	sdelay $0x1  }
0x99: {  	s19 =	simm.s32 $_scs_section_size  }
0x9a: {  	s4 =	simm.s32 $_size__tile_overlayer_lowered;
	s5 =	simm.s32 $_tile_overlayer_lowered  }
0x9b: {  	s22 =	simm.s32 $0x1BFF;
	s21 =	sshll.u32 s5, $0x1;
	s2 =	sadd.s32 s19, s18  }
0x9c: {  	s6 =	simm.s32 $0x0;
	s20 =	sshll.u32 s4, $0x1;
	s4 =	sadd.s32 s21, s2  }
0x9d: {  	[timem:s6], [sflag:s22] =	dma.local [hbm:s4], s20  }
0x9e: {  	_ =	swait.ge [sflag:s22], s20  }
0x9f: {  	s3 =	ssub.s32 $0x0, s20;
	[sflag:s22] =	ssyncset.done $0x0  }
0xa0: {  	[sflag:s22] =	ssyncadd.s32 s3;
	_ =	sdelay $0x1  }
0xa1: {  	s23 =	simm.s32 $0x1B8B  }
0xa2: {  	_ =	swait.ge [sflag:s23], $0x1  }
0xa3: {  	[sflag:s23] =	ssyncset.done $0x0  }
0xa4: {  	s25 =	simm.s32 $0x1B8E;
	s24 =	sld [smem:$0x3FFE];
	[sflag:s23] =	ssyncadd.s32 $0xFFFFFFFF  }
0xa5: {  	s26 =	simm.s32 $execute0_lowered;
	[smem:$0x3FD2] =	sst s25  }
0xa6: {  	s4 =	sshll.u32 s26, $0x1;
	_ =	strace $0x8000004C;
	[dreg:$0x1] =	wrdreg $0xFFFFFFFF  }
0xa7: {  	s28 =	simm.s32 $_size_execute0_lowered;
	s2 =	sadd.s32 s2, s4;
	[dreg:$0x0] =	wrdreg $0x0  }
0xa8: {  	s4 =	sshll.u32 s28, $0x1;
	[dreg:$0x2] =	wrdreg s2  }
0xa9: {  	[dreg:$0x3] =	wrdreg s4  }
0xaa: {  	[dreg:$0x4] =	wrdreg $0xC0  }
0xab: {  	_ =	task [dreg:s6], $0x5FFFF  }
0xac: {  	[dreg:$0x1] =	wrdreg $0xFFFFFFFF  }
0xad: {  	[dreg:$0x0] =	wrdreg $0x60  }
0xae: {  	[dreg:$0x2] =	wrdreg s24  }
0xaf: {  	[dreg:$0x3] =	wrdreg $0x9  }
0xb0: {  	_ =	task.clear_ibuf [dreg:s6], $0x4FFFF;
	_ =	strace $0x9000004C  }
0xb1: {  	s29 =	simm.s32 $0x9;
	_ =	strace $0x8000004E  }
0xb2: {  	_ =	swait.ge [sflag:s29], $0x1  }
0xb3: {  	[sflag:s29] =	ssyncadd.s32 $0xFFFFFFFF  }
0xb4: {  	_ =	strace $0x9000004E  }
0xb5: {  	_ =	sfence  }
0xb6: {  	s30 =	sld [smem:$0x0];
	_ =	sdelay $0x2  }
0xb7: {  	s31 =	sshll.u32 s1, $0xD;
	s1 =	sshrl.u32 s1, $0x2  }
0xb8: {  	s3 =	sand.u32 $0x4000, s31;
	s1 =	sadd.s32 s1, s30  }
0xb9: {  	s0 =	sor.u32 s3, s0;
	s1 =	sshll.u32 s1, $0x11  }
0xba: {  	s0 =	sor.u32 s1, s0  }
0xbb: {  	s0 =	sadd.s32 $0x8F2B, s0  }
0xbc: {  	[sflag:s0] =	ssyncadd.remote.s32 $0x1  }
0xbd: {  	_ =	sfence.sel $0xFFFF  }
0xbe: {  	[dreg:$0x0] =	wrdreg $0xFFFFFFFF;
	(pc) =	sbr.abs _section_cstart, $3  }
0xbf: {  	[dreg:$0x1] =	wrdreg $0xFFFFFFFF  }
0xc0: {  	_ =	task.clear_ibuf [dreg:s6], $0x2FFFF;
	_ =	strace $0x9FFFFFFF  }
0xc1: {  	(tm) =	ssettm $0x7FFFFFFF  }
tec
execute0_lowered:
.L_overlay_start_1:
0x0: {  	(tag) =	ssettag $0x1  }
0x1: {  	s13 =	rddreg [dreg:$0x0]  }
0x2: {  	s0 =	rddreg [dreg:$0x1];
	s3 =	srdreg.scid  }
0x3: {  	s1 =	stileid.u32;
	s2 =	simm.s32 $0x0;
	s19 =	simm.s32 $0x5800  }
0x4: {  	s20 =	simm.s32 $0x1;
	s21 =	simm.s32 $0x2;
	s22 =	simm.s32 $0x1780  }
0x5: {  	s23 =	simm.s32 $0x0;
	s12 =	sand.u32 $0x1, s3;
	s10 =	smul.u32 $0x60, s1  }
0x6: {  	s28 =	sshll.u32 s1, $0x1;
	[smem:$0x7FF] =	sst s2;
	s31 =	smul.u32 $0x30000, s1  }
0x7: {  	s3 =	sadd.s32 $0x912000, s13;
	s5 =	sor.u32 s12, s28;
	s16 =	smul.u32 $0x30, s12  }
0x8: {  	s4 =	sadd.s32 $0xD86200, s13;
	s7 =	ssub.s32 $0x2, s12;
	s6 =	smul.u32 $0x300, s5  }
0x9: {  	s15 =	sadd.s32 $0x486000, s13;
	s5 =	smul.u32 $0xC0000, s5;
	s29 =	sshrl.u32 s7, $0x1  }
0xa: {  	_ =	strace $0x8000004D;
	s18 =	smul.u32 $0x18000, s12;
	s11 =	ssub.s32 s7, s29  }
0xb: {  	s16 =	sadd.s32 s16, s10;
	s8 =	sadd.s32 s6, s13;
	s5 =	sshrl.u32 s5, $0x3  }
0xc: {  	s30 =	sshll.u32 s16, $0xB;
	s11 =	smax.u32 s11, $0x1;
	s16 =	simm.s32 $0x3  }
0xd: {  	s9 =	sadd.s32 $0x17000, s5;
	s14 =	sadd.s32 $0x17800, s5;
	s5 =	sadd.s32 $0x906000, s8  }
0xe: {  	s8 =	sadd.s32 $0x90C000, s8;
	s17 =	sadd.s32 s30, s13;
	s6 =	sadd.s32 s13, s9  }
0xf: {  	s7 =	sadd.s32 s13, s14;
	s9 =	sadd.s32 s15, s9;
	s10 =	sadd.s32 s15, s14  }
0x10: {  	s12 =	sadd.s32 $0x800, s17;
	s13 =	sadd.s32 s31, s13;
	s14 =	sadd.s32 s30, s15  }
0x11: {  	s15 =	sadd.s32 s31, s15;
	s17 =	simm.s32 $0x80;
	s13 =	sadd.s32 s18, s13  }
0x12: {  	s14 =	sadd.s32 $0x800, s14;
	s15 =	sadd.s32 s18, s15;
	s18 =	simm.s32 $0x1800  }
.LBB2_1:
0x13: {  	[tilespmem:s2], [sflag:$0x3] =	stream.linear.gather [hbm4b:s5+s2], $0x1800, $0x38;
	[tilespmem:$0x9800] =	vst v63  }
0x14: {  	_ =	swait.ge [sflag:s16], $0x1800  }
0x15: {  	[sflag:s16] =	ssyncset.done $0x0  }
0x16: {  	[sflag:s16] =	ssyncadd.s32 $0xFFFFE800  }
0x17: {  	[tilespmem:s18], [sflag:$0x1] =	stream.indirect.gather [hbm4b:s3+s17], $0x80, s2, s17, $0xb8;
	[tilespmem:$0x9800] =	vst v63  }
0x18: {  	s24 =	simm.s32 $0x80  }
0x19: {  	[tilespmem:s19], [sflag:$0x2] =	stream.indirect.gather [hbm4b:s3+s17], $0x80, s24, s17, $0xb8;
	[tilespmem:$0x9800] =	vst v63  }
0x1a: {  	_ =	swait.ge [sflag:s20], $0x4000  }
0x1b: {  	[sflag:s20] =	ssyncset.done $0x0  }
0x1c: {  	s29 =	sadd.s32 $0x0, s13;
	[sflag:s20] =	ssyncadd.s32 $0xFFFFC000  }
0x1d: {  	[hbm4b:s29+s2] =	stream.linear.scatter [tilespmem:s18], [sflag:$0x3], $0x4000, $0x38;
	[tilespmem:$0x9800] =	vst v63  }
0x1e: {  	_ =	swait.ge [sflag:s16], $0x4000  }
0x1f: {  	[sflag:s16] =	ssyncset.done $0x0  }
0x20: {  	s30 =	simm.s32 $0x100;
	[sflag:s16] =	ssyncadd.s32 $0xFFFFC000  }
0x21: {  	[tilespmem:s18], [sflag:$0x1] =	stream.indirect.gather [hbm4b:s3+s17], $0x80, s30, s17, $0xb8;
	[tilespmem:$0x9800] =	vst v63  }
0x22: {  	_ =	swait.ge [sflag:s21], $0x4000  }
0x23: {  	[sflag:s21] =	ssyncset.done $0x0  }
0x24: {  	s31 =	sadd.s32 $0x0, s12;
	[sflag:s21] =	ssyncadd.s32 $0xFFFFC000  }
0x25: {  	[hbm4b:s31+s2] =	stream.linear.scatter [tilespmem:s19], [sflag:$0x3], $0x4000, $0x38;
	[tilespmem:$0x9800] =	vst v63  }
0x26: {  	s26 =	simm.s32 $0x2000;
	_ =	swait.ge [sflag:s16], $0x4000  }
0x27: {  	s25 =	simm.s32 $0x200;
	s24 =	simm.s32 $0x1000;
	[sflag:s16] =	ssyncset.done $0x0  }
.LBB2_2:
0x28: {  	p0 =	sne.s32 s26, $0x16000;
	s28 =	sadd.s32 $0xFFFFFF80, s25;
	[sflag:s16] =	ssyncadd.s32 $0xFFFFC000  }
0x29: {  	[tilespmem:s19], [sflag:$0x2] =	stream.indirect.gather [hbm4b:s3+s17], $0x80, s28, s17, $0xb8;
	[tilespmem:$0x9800] =	vst v63  }
0x2a: {  	s28 =	smov.u32 s26;
	s26 =	sadd.s32 $0x1000, s26;
	_ =	swait.ge [sflag:s20], $0x4000  }
0x2b: {  	[sflag:s20] =	ssyncset.done $0x0  }
0x2c: {  	s29 =	sadd.s32 s24, s13;
	[sflag:s20] =	ssyncadd.s32 $0xFFFFC000  }
0x2d: {  	[hbm4b:s29+s2] =	stream.linear.scatter [tilespmem:s18], [sflag:$0x3], $0x4000, $0x38;
	[tilespmem:$0x9800] =	vst v63  }
0x2e: {  	_ =	swait.ge [sflag:s16], $0x4000  }
0x2f: {  	[sflag:s16] =	ssyncset.done $0x0  }
0x30: {  	[sflag:s16] =	ssyncadd.s32 $0xFFFFC000  }
0x31: {  	[tilespmem:s18], [sflag:$0x1] =	stream.indirect.gather [hbm4b:s3+s17], $0x80, s25, s17, $0xb8;
	[tilespmem:$0x9800] =	vst v63  }
0x32: {  	_ =	swait.ge [sflag:s21], $0x4000  }
.Ltmp0:
0x33: {  	[sflag:s21] =	ssyncset.done $0x0;
	(pc) =	sbr.rel @p0 .LBB2_2-.Ltmp0, $4  }
0x34: {  	s29 =	sadd.s32 s24, s12;
	s24 =	smov.u32 s28;
	[sflag:s21] =	ssyncadd.s32 $0xFFFFC000  }
0x35: {  	[hbm4b:s29+s2] =	stream.linear.scatter [tilespmem:s19], [sflag:$0x3], $0x4000, $0x38;
	[tilespmem:$0x9800] =	vst v63  }
0x36: {  	_ =	swait.ge [sflag:s16], $0x4000  }
0x37: {  	s25 =	sadd.s32 $0x100, s25;
	[sflag:s16] =	ssyncset.done $0x0  }
0x38: {  	s26 =	sadd.s32 $0xFFFFFF80, s25;
	[sflag:s16] =	ssyncadd.s32 $0xFFFFC000  }
0x39: {  	[tilespmem:s19], [sflag:$0x2] =	stream.indirect.gather [hbm4b:s3+s17], $0x80, s26, s17, $0xb8;
	[tilespmem:$0x9800] =	vst v63  }
0x3a: {  	_ =	swait.ge [sflag:s20], $0x4000  }
0x3b: {  	[sflag:s20] =	ssyncset.done $0x0  }
0x3c: {  	s31 =	sadd.s32 s24, s13;
	[sflag:s20] =	ssyncadd.s32 $0xFFFFC000  }
0x3d: {  	[hbm4b:s31+s2] =	stream.linear.scatter [tilespmem:s18], [sflag:$0x3], $0x4000, $0x38;
	[tilespmem:$0x9800] =	vst v63  }
0x3e: {  	_ =	swait.ge [sflag:s16], $0x4000  }
0x3f: {  	[sflag:s16] =	ssyncset.done $0x0  }
0x40: {  	[sflag:s16] =	ssyncadd.s32 $0xFFFFC000  }
0x41: {  	[tilespmem:s18], [sflag:$0x1] =	stream.indirect.gather [hbm4b:s3+s17], $0x80, s25, s17, $0xb8;
	[tilespmem:$0x9800] =	vst v63  }
0x42: {  	_ =	swait.ge [sflag:s21], $0x4000  }
0x43: {  	[sflag:s21] =	ssyncset.done $0x0  }
0x44: {  	s25 =	sadd.s32 s24, s12;
	[sflag:s21] =	ssyncadd.s32 $0xFFFFC000  }
0x45: {  	[hbm4b:s25+s2] =	stream.linear.scatter [tilespmem:s19], [sflag:$0x3], $0x4000, $0x38;
	[tilespmem:$0x9800] =	vst v63  }
0x46: {  	_ =	swait.ge [sflag:s16], $0x4000  }
0x47: {  	[sflag:s16] =	ssyncset.done $0x0  }
0x48: {  	[sflag:s16] =	ssyncadd.s32 $0xFFFFC000  }
0x49: {  	[tilespmem:s19], [sflag:$0x2] =	stream.indirect.gather [hbm4b:s3+s17], $0x80, s22, s17, $0xb8;
	[tilespmem:$0x9800] =	vst v63  }
0x4a: {  	_ =	swait.ge [sflag:s20], $0x4000  }
0x4b: {  	[sflag:s20] =	ssyncset.done $0x0  }
0x4c: {  	s26 =	simm.s32 $0x0;
	[sflag:s20] =	ssyncadd.s32 $0xFFFFC000  }
0x4d: {  	[hbm4b:s6+s26] =	stream.linear.scatter [tilespmem:s18], [sflag:$0x3], $0x4000, $0x38;
	[tilespmem:$0x9800] =	vst v63  }
0x4e: {  	_ =	swait.ge [sflag:s16], $0x4000  }
0x4f: {  	[sflag:s16] =	ssyncset.done $0x0  }
0x50: {  	[sflag:s16] =	ssyncadd.s32 $0xFFFFC000  }
0x51: {  	_ =	swait.ge [sflag:s21], $0x4000  }
0x52: {  	[sflag:s21] =	ssyncset.done $0x0  }
0x53: {  	[sflag:s21] =	ssyncadd.s32 $0xFFFFC000  }
0x54: {  	[hbm4b:s7+s26] =	stream.linear.scatter [tilespmem:s19], [sflag:$0x3], $0x4000, $0x38;
	[tilespmem:$0x9800] =	vst v63  }
0x55: {  	_ =	swait.ge [sflag:s16], $0x4000  }
0x56: {  	[sflag:s16] =	ssyncset.done $0x0  }
0x57: {  	[sflag:s16] =	ssyncadd.s32 $0xFFFFC000  }
0x58: {  	[tilespmem:s26], [sflag:$0x3] =	stream.linear.gather [hbm4b:s8+s26], $0x1800, $0x38;
	[tilespmem:$0x9800] =	vst v63  }
0x59: {  	_ =	swait.ge [sflag:s16], $0x1800  }
0x5a: {  	[sflag:s16] =	ssyncset.done $0x0  }
0x5b: {  	[sflag:s16] =	ssyncadd.s32 $0xFFFFE800  }
0x5c: {  	[tilespmem:s18], [sflag:$0x1] =	stream.indirect.gather [hbm4b:s4+s17], $0x80, s26, s17, $0xb8;
	[tilespmem:$0x9800] =	vst v63  }
0x5d: {  	s28 =	simm.s32 $0x80  }
0x5e: {  	[tilespmem:s19], [sflag:$0x2] =	stream.indirect.gather [hbm4b:s4+s17], $0x80, s28, s17, $0xb8;
	[tilespmem:$0x9800] =	vst v63  }
0x5f: {  	_ =	swait.ge [sflag:s20], $0x4000  }
0x60: {  	[sflag:s20] =	ssyncset.done $0x0  }
0x61: {  	s29 =	sadd.s32 $0x0, s15;
	[sflag:s20] =	ssyncadd.s32 $0xFFFFC000  }
0x62: {  	[hbm4b:s29+s2] =	stream.linear.scatter [tilespmem:s18], [sflag:$0x3], $0x4000, $0x38;
	[tilespmem:$0x9800] =	vst v63  }
0x63: {  	_ =	swait.ge [sflag:s16], $0x4000  }
0x64: {  	[sflag:s16] =	ssyncset.done $0x0  }
0x65: {  	s30 =	simm.s32 $0x100;
	[sflag:s16] =	ssyncadd.s32 $0xFFFFC000  }
0x66: {  	[tilespmem:s18], [sflag:$0x1] =	stream.indirect.gather [hbm4b:s4+s17], $0x80, s30, s17, $0xb8;
	[tilespmem:$0x9800] =	vst v63  }
0x67: {  	_ =	swait.ge [sflag:s21], $0x4000  }
0x68: {  	[sflag:s21] =	ssyncset.done $0x0  }
0x69: {  	s31 =	sadd.s32 $0x0, s14;
	[sflag:s21] =	ssyncadd.s32 $0xFFFFC000  }
0x6a: {  	[hbm4b:s31+s2] =	stream.linear.scatter [tilespmem:s19], [sflag:$0x3], $0x4000, $0x38;
	[tilespmem:$0x9800] =	vst v63  }
0x6b: {  	s24 =	simm.s32 $0x1000;
	_ =	swait.ge [sflag:s16], $0x4000  }
0x6c: {  	s25 =	simm.s32 $0x200;
	s26 =	simm.s32 $0x2000;
	[sflag:s16] =	ssyncset.done $0x0  }
.LBB2_4:
0x6d: {  	p0 =	sne.s32 s26, $0x16000;
	s28 =	sadd.s32 $0xFFFFFF80, s25;
	[sflag:s16] =	ssyncadd.s32 $0xFFFFC000  }
0x6e: {  	[tilespmem:s19], [sflag:$0x2] =	stream.indirect.gather [hbm4b:s4+s17], $0x80, s28, s17, $0xb8;
	[tilespmem:$0x9800] =	vst v63  }
0x6f: {  	s28 =	smov.u32 s26;
	s26 =	sadd.s32 $0x1000, s26;
	_ =	swait.ge [sflag:s20], $0x4000  }
0x70: {  	[sflag:s20] =	ssyncset.done $0x0  }
0x71: {  	s29 =	sadd.s32 s24, s15;
	[sflag:s20] =	ssyncadd.s32 $0xFFFFC000  }
0x72: {  	[hbm4b:s29+s2] =	stream.linear.scatter [tilespmem:s18], [sflag:$0x3], $0x4000, $0x38;
	[tilespmem:$0x9800] =	vst v63  }
0x73: {  	_ =	swait.ge [sflag:s16], $0x4000  }
0x74: {  	[sflag:s16] =	ssyncset.done $0x0  }
0x75: {  	[sflag:s16] =	ssyncadd.s32 $0xFFFFC000  }
0x76: {  	[tilespmem:s18], [sflag:$0x1] =	stream.indirect.gather [hbm4b:s4+s17], $0x80, s25, s17, $0xb8;
	[tilespmem:$0x9800] =	vst v63  }
0x77: {  	_ =	swait.ge [sflag:s21], $0x4000  }
.Ltmp1:
0x78: {  	[sflag:s21] =	ssyncset.done $0x0;
	(pc) =	sbr.rel @p0 .LBB2_4-.Ltmp1, $4  }
0x79: {  	s29 =	sadd.s32 s24, s14;
	s24 =	smov.u32 s28;
	[sflag:s21] =	ssyncadd.s32 $0xFFFFC000  }
0x7a: {  	[hbm4b:s29+s2] =	stream.linear.scatter [tilespmem:s19], [sflag:$0x3], $0x4000, $0x38;
	[tilespmem:$0x9800] =	vst v63  }
0x7b: {  	_ =	swait.ge [sflag:s16], $0x4000  }
0x7c: {  	s25 =	sadd.s32 $0x100, s25;
	[sflag:s16] =	ssyncset.done $0x0  }
0x7d: {  	s26 =	sadd.s32 $0xFFFFFF80, s25;
	[sflag:s16] =	ssyncadd.s32 $0xFFFFC000  }
0x7e: {  	[tilespmem:s19], [sflag:$0x2] =	stream.indirect.gather [hbm4b:s4+s17], $0x80, s26, s17, $0xb8;
	[tilespmem:$0x9800] =	vst v63  }
0x7f: {  	_ =	swait.ge [sflag:s20], $0x4000  }
0x80: {  	[sflag:s20] =	ssyncset.done $0x0  }
0x81: {  	s30 =	sadd.s32 s24, s15;
	[sflag:s20] =	ssyncadd.s32 $0xFFFFC000  }
0x82: {  	[hbm4b:s30+s2] =	stream.linear.scatter [tilespmem:s18], [sflag:$0x3], $0x4000, $0x38;
	[tilespmem:$0x9800] =	vst v63  }
0x83: {  	_ =	swait.ge [sflag:s16], $0x4000  }
0x84: {  	[sflag:s16] =	ssyncset.done $0x0  }
0x85: {  	[sflag:s16] =	ssyncadd.s32 $0xFFFFC000  }
0x86: {  	[tilespmem:s18], [sflag:$0x1] =	stream.indirect.gather [hbm4b:s4+s17], $0x80, s25, s17, $0xb8;
	[tilespmem:$0x9800] =	vst v63  }
0x87: {  	_ =	swait.ge [sflag:s21], $0x4000  }
0x88: {  	[sflag:s21] =	ssyncset.done $0x0  }
0x89: {  	s31 =	sadd.s32 s24, s14;
	[sflag:s21] =	ssyncadd.s32 $0xFFFFC000  }
0x8a: {  	[hbm4b:s31+s2] =	stream.linear.scatter [tilespmem:s19], [sflag:$0x3], $0x4000, $0x38;
	[tilespmem:$0x9800] =	vst v63  }
0x8b: {  	_ =	swait.ge [sflag:s16], $0x4000  }
0x8c: {  	[sflag:s16] =	ssyncset.done $0x0  }
0x8d: {  	[sflag:s16] =	ssyncadd.s32 $0xFFFFC000  }
0x8e: {  	[tilespmem:s19], [sflag:$0x2] =	stream.indirect.gather [hbm4b:s4+s17], $0x80, s22, s17, $0xb8;
	[tilespmem:$0x9800] =	vst v63  }
0x8f: {  	_ =	swait.ge [sflag:s20], $0x4000  }
0x90: {  	[sflag:s20] =	ssyncset.done $0x0  }
0x91: {  	[sflag:s20] =	ssyncadd.s32 $0xFFFFC000  }
0x92: {  	[hbm4b:s9+s2] =	stream.linear.scatter [tilespmem:s18], [sflag:$0x3], $0x4000, $0x38;
	[tilespmem:$0x9800] =	vst v63  }
0x93: {  	_ =	swait.ge [sflag:s16], $0x4000  }
0x94: {  	[sflag:s16] =	ssyncset.done $0x0  }
0x95: {  	[sflag:s16] =	ssyncadd.s32 $0xFFFFC000  }
0x96: {  	s23 =	sadd.s32 $0x1, s23;
	_ =	swait.ge [sflag:s21], $0x4000  }
0x97: {  	p0 =	sne.s32 s23, s11;
	[sflag:s21] =	ssyncset.done $0x0  }
.Ltmp2:
0x98: {  	[sflag:s21] =	ssyncadd.s32 $0xFFFFC000;
	(pc) =	sbr.rel @p0 .LBB2_1-.Ltmp2, $4  }
0x99: {  	[hbm4b:s10+s2] =	stream.linear.scatter [tilespmem:s19], [sflag:$0x3], $0x4000, $0x38;
	[tilespmem:$0x9800] =	vst v63  }
0x9a: {  	_ =	swait.ge [sflag:s16], $0x4000  }
0x9b: {  	[sflag:s16] =	ssyncset.done $0x0  }
0x9c: {  	[sflag:s16] =	ssyncadd.s32 $0xFFFFC000  }
0x9d: {  	_ =	sfence.sel $0x180000  }
0x9e: {  	[bflag:$0x0] =	sbarrier.arrive $0xFFFF  }
0x9f: {  	p0 =	sne.s32 s1, $0x0;
	_ =	strace $0x9000004D  }
0xa0: {  	s0 =	sadd.s32 @!p0 $0x100000, s0;
	[bflag:$0x2] =	sbarrier.arrive $0xFFFF  }
0xa1: {  	[sflag:s0] =	ssyncadd.tile.s32 @!p0 $0x1;
	_ =	shalt  }
.Lfunc_end2:
_tile_overlayer_lowered:
.L_overlay_start_2:
0xa2: {  	(tag) =	ssettag $0x2  }
0xa3: {  	s0 =	rddreg [dreg:$0x0];
	s2 =	stileid.u32  }
0xa4: {  	s1 =	rddreg [dreg:$0x1];
	p0 =	sne.s32 s2, $0x0  }
0xa5: {  	s3 =	rddreg [dreg:$0x2];
	[bflag:$0x3] =	sbarrier.arrive $0xFFFF;
	s2 =	simm.s32 @!p0 $0x1C03  }
0xa6: {  	[timem:s3], [sflag:s2] =	dma.local @!p0 [hbm:s0], s1  }
0xa7: {  	s0 =	simm.s32 @!p0 $0x3  }
0xa8: {  	_ =	swait.ge @!p0 [sflag:s0], s1  }
0xa9: {  	s1 =	ssub.s32 @!p0 $0x0, s1;
	[sflag:s0] =	ssyncset.done @!p0 $0x0  }
0xaa: {  	[sflag:s0] =	ssyncadd.s32 @!p0 s1  }
0xab: {  	[bflag:$0x3] =	sbarrier.arrive $0xFFFF  }
0xac: {  	_ =	shalt  }

// kernel: kernel.8.cloned.1.call-start
scs
__scs_entry_jumppad:
0x0: {  	(pc) =	sbr.rel $0x88, $3  }
0x1: {  	(tag) =	ssettag $0x0;
	lr =	simm.s32 $0x1  }
0x2: {  	[smem:$0x3F9B] =	sst lr;
	_ =	strace $0xD0000000  }
0x3: {  	_ = 	snop  }
0x4: {  	_ = 	snop  }
0x5: {  	_ = 	snop  }
0x6: {  	_ = 	snop  }
0x7: {  	_ = 	snop  }
__scs_overlays_trampoline_lowered:
0x8: {  	[smem:$0x3FAA] =	sst s0  }
0x9: {  	[smem:$0x3FAB] =	sst s1  }
0xa: {  	[smem:$0x3FAC] =	sst s2  }
0xb: {  	[smem:$0x3FAD] =	sst s3  }
0xc: {  	[smem:$0x3FAE] =	sst s4  }
0xd: {  	[smem:$0x3FAF] =	sst s5  }
0xe: {  	[smem:$0x3FB0] =	sst s6  }
0xf: {  	[smem:$0x3FB1] =	sst s7  }
0x10: {  	[smem:$0x3FB2] =	sst s8  }
0x11: {  	[smem:$0x3FB3] =	sst s9;
	s0 =	simm.s32 @!p0 $0x0  }
0x12: {  	s1 =	sld [smem:$0x3F99];
	s0 =	simm.s32 @p0 $0x1  }
0x13: {  	[smem:$0x3FB4] =	sst s0;
	s0 =	simm.s32 @!p1 $0x0  }
0x14: {  	s2 =	sld [smem:$0x3F98];
	s0 =	simm.s32 @p1 $0x1  }
0x15: {  	[smem:$0x3FB5] =	sst s0;
	s0 =	simm.s32 @!p2 $0x0  }
0x16: {  	s3 =	sld [smem:$0x3FDB];
	s0 =	simm.s32 @p2 $0x1  }
0x17: {  	s4 =	simm.s32 $0x1BF5;
	[smem:$0x3FB7] =	sst s0  }
0x18: {  	s0 =	sld [smem:$0x3F9A];
	_ =	swait.ge [sflag:s4], $0x0  }
0x19: {  	s7 =	sld [smem:$0x3F9B]  }
0x1a: {  	s8 =	sadd.s32 $0xFFFFE003, lr  }
0x1b: {  	s9 =	sadd.s32 $0xFFFFFEF7, lr;
	s5 =	simm.s32 $0xFFFFFFFF;
	p2 =	slt.u32 s8, $0xFFFFF086  }
0x1c: {  	p1 =	slt.u32 s9, $0xF7A;
	s5 =	simm.s32 @!p2 $0x0  }
0x1d: {  	s5 =	simm.s32 @p1 $0x1;
	p0 =	seq.s32 s7, s2  }
0x1e: {  	s7 =	smul.u32 @!p0 $0xF7A, s2;
	p2 =	seq.s32 @!p0 s5, $0x0  }
0x1f: {  	s9 =	smul.u32 $0xF7A, s1;
	s8 =	simm.s32 @!p0 $0x1BF5;
	p2 =	por !p2, p0  }
0x20: {  	[sflag:s8] =	ssyncset.s32 @!p0 $0xFFFFF086;
	s6 =	sadd.s32 @!p0 s3, s7;
	s7 =	simm.s32 @!p0 $0x108  }
0x21: {  	s3 =	sadd.s32 s3, s9;
	s6 =	sadd.s32 @!p0 $0x88, s6;
	s7 =	simm.s32 @p2 $0x1082  }
0x22: {  	[simem:s7], [sflag:s8] =	dma.local @!p0 [hbm:s6], $0xF7A  }
0x23: {  	s9 =	sor.u32 $0xD0000000, s2;
	s6 =	simm.s32 $0x108;
	_ =	swait.ge @!p0 [sflag:s8], $0x0  }
0x24: {  	s3 =	sadd.s32 $0x88, s3;
	s6 =	simm.s32 @!p1 $0x1082;
	[sflag:s4] =	ssyncset.s32 $0xFFFFF086  }
0x25: {  	[simem:s6], [sflag:s4] =	dma.local [hbm:s3], $0xF7A  }
0x26: {  	[smem:$0x3F9B] =	sst s1;
	(tag) =	ssettag s2;
	_ =	strace s9  }
0x27: {  	s1 =	sld [smem:$0x3FAB]  }
0x28: {  	s2 =	sld [smem:$0x3FAC]  }
0x29: {  	s4 =	sld [smem:$0x3FAE]  }
0x2a: {  	p0 =	seq.s32 s5, $0x0;
	s5 =	sld [smem:$0x3FAF]  }
0x2b: {  	s6 =	sld [smem:$0x3FB0]  }
0x2c: {  	s7 =	sld [smem:$0x3FB1]  }
0x2d: {  	s3 =	simm.s32 $0x108;
	s8 =	sld [smem:$0x3FB2]  }
0x2e: {  	s3 =	simm.s32 @!p0 $0x1082;
	s9 =	sld [smem:$0x3FB3]  }
0x2f: {  	lr =	sadd.s32 s0, s3;
	s0 =	sld [smem:$0x3FAA]  }
0x30: {  	s3 =	sld [smem:$0x3FAD]  }
0x31: {  	[smem:$0x3FB6] =	sst s10  }
0x32: {  	s10 =	sld [smem:$0x3FB4];
	_ =	sdelay $0x3  }
0x33: {  	p0 =	seq.s32 s10, $0x1;
	s10 =	sld [smem:$0x3FB6];
	_ =	sdelay $0x3  }
0x34: {  	[smem:$0x3FB6] =	sst s10  }
0x35: {  	s10 =	sld [smem:$0x3FB5];
	_ =	sdelay $0x3  }
0x36: {  	p1 =	seq.s32 s10, $0x1;
	s10 =	sld [smem:$0x3FB6];
	_ =	sdelay $0x3  }
0x37: {  	[smem:$0x3FB6] =	sst s10  }
0x38: {  	s10 =	sld [smem:$0x3FB7]  }
0x39: {  	_ = 	snop;
	(pc) =	sbr.ind lr, $3  }
0x3a: {  	_ = 	snop  }
0x3b: {  	_ = 	snop  }
0x3c: {  	p2 =	seq.s32 s10, $0x1;
	s10 =	sld [smem:$0x3FB6]  }
0x3d: {  	_ =	shalt  }
0x3e: {  	_ =	shalt  }
0x3f: {  	_ =	shalt  }
0x40: {  	_ =	shalt  }
0x41: {  	_ =	shalt  }
0x42: {  	_ =	shalt  }
0x43: {  	_ =	shalt  }
0x44: {  	_ =	shalt  }
0x45: {  	_ =	shalt  }
0x46: {  	_ =	shalt  }
0x47: {  	_ =	shalt  }
0x48: {  	_ =	shalt  }
0x49: {  	_ =	shalt  }
0x4a: {  	_ =	shalt  }
0x4b: {  	_ =	shalt  }
0x4c: {  	_ =	shalt  }
0x4d: {  	_ =	shalt  }
0x4e: {  	_ =	shalt  }
0x4f: {  	_ =	shalt  }
0x50: {  	_ =	shalt  }
0x51: {  	_ =	shalt  }
0x52: {  	_ =	shalt  }
0x53: {  	_ =	shalt  }
0x54: {  	_ =	shalt  }
0x55: {  	_ =	shalt  }
0x56: {  	_ =	shalt  }
0x57: {  	_ =	shalt  }
0x58: {  	_ =	shalt  }
0x59: {  	_ =	shalt  }
0x5a: {  	_ =	shalt  }
0x5b: {  	_ =	shalt  }
0x5c: {  	_ =	shalt  }
0x5d: {  	_ =	shalt  }
0x5e: {  	_ =	shalt  }
0x5f: {  	_ =	shalt  }
0x60: {  	_ =	shalt  }
0x61: {  	_ =	shalt  }
0x62: {  	_ =	shalt  }
0x63: {  	_ =	shalt  }
0x64: {  	_ =	shalt  }
0x65: {  	_ =	shalt  }
0x66: {  	_ =	shalt  }
0x67: {  	_ =	shalt  }
0x68: {  	_ =	shalt  }
0x69: {  	_ =	shalt  }
0x6a: {  	_ =	shalt  }
0x6b: {  	_ =	shalt  }
0x6c: {  	_ =	shalt  }
0x6d: {  	_ =	shalt  }
0x6e: {  	_ =	shalt  }
0x6f: {  	_ =	shalt  }
0x70: {  	_ =	shalt  }
0x71: {  	_ =	shalt  }
0x72: {  	_ =	shalt  }
0x73: {  	_ =	shalt  }
0x74: {  	_ =	shalt  }
0x75: {  	_ =	shalt  }
0x76: {  	_ =	shalt  }
0x77: {  	_ =	shalt  }
0x78: {  	_ =	shalt  }
0x79: {  	_ =	shalt  }
0x7a: {  	_ =	shalt  }
0x7b: {  	_ =	shalt  }
0x7c: {  	_ =	shalt  }
0x7d: {  	_ =	shalt  }
0x7e: {  	_ =	shalt  }
0x7f: {  	_ =	shalt  }
0x80: {  	_ =	shalt  }
0x81: {  	_ =	shalt  }
0x82: {  	_ =	shalt  }
0x83: {  	_ =	shalt  }
0x84: {  	_ =	shalt  }
0x85: {  	_ =	shalt  }
0x86: {  	_ =	shalt  }
0x87: {  	_ =	shalt  }
.Lfunc_end0:
.L_simem_size_0:
called_computation.3_lowered:
.L_overlay_start_0:
0x88: {  	s2 =	sld [smem:$0x3FD9]  }
0x89: {  	s3 =	sld [smem:$0x3FFE];
	_ =	sdelay $0x1  }
0x8a: {  	s1 =	srdreg.scid  }
0x8b: {  	s0 =	sand.u32 $0x1, s1  }
0x8c: {  	s16 =	sshll.u32 s0, $0xA;
	s2 =	sadd.s32 s3, s2  }
0x8d: {  	s2 =	sadd.s32 s2, s16  }
0x8e: {  	[smem:$0x3FC2] =	sst s2  }
0x8f: {  	_ = 	snop  }
0x90: {  	(tm) =	ssettm $0x1  }
0x91: {  	s17 =	sld [smem:$0x3FFB];
	_ =	sdelay $0x3  }
0x92: {  	_ =	strace s17  }
0x93: {  	s2 =	sld [smem:$0x3FFC];
	_ =	sdelay $0x3  }
0x94: {  	_ =	strace s2  }
0x95: {  	s2 =	sld [smem:$0x3FFD];
	_ =	sdelay $0x3  }
0x96: {  	_ =	strace s2  }
0x97: {  	_ =	strace $0x8FFFFFFF  }
0x98: {  	s18 =	sld [smem:$0x3FDB];
	_ =	sdelay $0x1  }
0x99: {  	s19 =	simm.s32 $_scs_section_size  }
0x9a: {  	s4 =	simm.s32 $_size__tile_overlayer_lowered;
	s5 =	simm.s32 $_tile_overlayer_lowered  }
0x9b: {  	s22 =	simm.s32 $0x1BFF;
	s21 =	sshll.u32 s5, $0x1;
	s2 =	sadd.s32 s19, s18  }
0x9c: {  	s6 =	simm.s32 $0x0;
	s20 =	sshll.u32 s4, $0x1;
	s4 =	sadd.s32 s21, s2  }
0x9d: {  	[timem:s6], [sflag:s22] =	dma.local [hbm:s4], s20  }
0x9e: {  	_ =	swait.ge [sflag:s22], s20  }
0x9f: {  	s3 =	ssub.s32 $0x0, s20;
	[sflag:s22] =	ssyncset.done $0x0  }
0xa0: {  	[sflag:s22] =	ssyncadd.s32 s3;
	_ =	sdelay $0x1  }
0xa1: {  	s23 =	simm.s32 $0x1B8B  }
0xa2: {  	_ =	swait.ge [sflag:s23], $0x1  }
0xa3: {  	[sflag:s23] =	ssyncset.done $0x0  }
0xa4: {  	s25 =	simm.s32 $0x1B8E;
	s24 =	sld [smem:$0x3FFE];
	[sflag:s23] =	ssyncadd.s32 $0xFFFFFFFF  }
0xa5: {  	s26 =	simm.s32 $execute0_lowered;
	[smem:$0x3FD2] =	sst s25  }
0xa6: {  	s4 =	sshll.u32 s26, $0x1;
	_ =	strace $0x8000004F;
	[dreg:$0x1] =	wrdreg $0xFFFFFFFF  }
0xa7: {  	s28 =	simm.s32 $_size_execute0_lowered;
	s2 =	sadd.s32 s2, s4;
	[dreg:$0x0] =	wrdreg $0x0  }
0xa8: {  	s4 =	sshll.u32 s28, $0x1;
	[dreg:$0x2] =	wrdreg s2  }
0xa9: {  	[dreg:$0x3] =	wrdreg s4  }
0xaa: {  	[dreg:$0x4] =	wrdreg $0xC0  }
0xab: {  	_ =	task [dreg:s6], $0x5FFFF  }
0xac: {  	[dreg:$0x1] =	wrdreg $0xFFFFFFFF  }
0xad: {  	[dreg:$0x0] =	wrdreg $0x60  }
0xae: {  	[dreg:$0x2] =	wrdreg s24  }
0xaf: {  	[dreg:$0x3] =	wrdreg $0x9  }
0xb0: {  	_ =	task.clear_ibuf [dreg:s6], $0x4FFFF;
	_ =	strace $0x9000004F  }
0xb1: {  	s29 =	simm.s32 $0x9;
	_ =	strace $0x80000051  }
0xb2: {  	_ =	swait.ge [sflag:s29], $0x1  }
0xb3: {  	[sflag:s29] =	ssyncadd.s32 $0xFFFFFFFF  }
0xb4: {  	_ =	strace $0x90000051  }
0xb5: {  	_ =	sfence  }
0xb6: {  	s30 =	sld [smem:$0x0];
	_ =	sdelay $0x2  }
0xb7: {  	s31 =	sshll.u32 s1, $0xD;
	s1 =	sshrl.u32 s1, $0x2  }
0xb8: {  	s3 =	sand.u32 $0x4000, s31;
	s1 =	sadd.s32 s1, s30  }
0xb9: {  	s0 =	sor.u32 s3, s0;
	s1 =	sshll.u32 s1, $0x11  }
0xba: {  	s0 =	sor.u32 s1, s0  }
0xbb: {  	s0 =	sadd.s32 $0x8F2B, s0  }
0xbc: {  	[sflag:s0] =	ssyncadd.remote.s32 $0x1  }
0xbd: {  	_ =	sfence.sel $0xFFFF  }
0xbe: {  	[dreg:$0x0] =	wrdreg $0xFFFFFFFF;
	(pc) =	sbr.abs _section_cstart, $3  }
0xbf: {  	[dreg:$0x1] =	wrdreg $0xFFFFFFFF  }
0xc0: {  	_ =	task.clear_ibuf [dreg:s6], $0x2FFFF;
	_ =	strace $0x9FFFFFFF  }
0xc1: {  	(tm) =	ssettm $0x7FFFFFFF  }
tec
execute0_lowered:
.L_overlay_start_1:
0x0: {  	(tag) =	ssettag $0x1  }
0x1: {  	s1 =	srdreg.scid  }
0x2: {  	s0 =	stileid.u32;
	s2 =	rddreg [dreg:$0x0]  }
0x3: {  	s3 =	simm.s32 $0x0;
	s12 =	simm.s32 $0x5800;
	s13 =	simm.s32 $0x80  }
0x4: {  	s14 =	simm.s32 $0x1;
	s15 =	simm.s32 $0x2;
	s16 =	simm.s32 $0x1780  }
0x5: {  	s4 =	sand.u32 $0x1, s1;
	s5 =	sshll.u32 s0, $0x1;
	s7 =	smul.u32 $0x60, s0  }
0x6: {  	s5 =	sor.u32 s4, s5;
	s9 =	ssub.s32 $0x2, s4;
	s4 =	smul.u32 $0x30, s4  }
0x7: {  	s17 =	simm.s32 $0x0;
	s1 =	rddreg [dreg:$0x1];
	s6 =	smul.u32 $0x300, s5  }
0x8: {  	[smem:$0x7FF] =	sst s3;
	s8 =	sadd.s32 $0x90C000, s2;
	s11 =	smul.u32 $0xC0000, s5  }
0x9: {  	_ =	strace $0x80000050;
	s10 =	sshrl.u32 s9, $0x1;
	s5 =	smul.u32 $0x18000, s5  }
0xa: {  	s9 =	ssub.s32 s9, s10;
	s7 =	sadd.s32 s4, s7;
	s10 =	simm.s32 $0x3  }
0xb: {  	s6 =	sadd.s32 s6, s2;
	s30 =	sshrl.u32 s11, $0x3;
	s7 =	sshll.u32 s7, $0xB  }
0xc: {  	s5 =	sadd.s32 s8, s5;
	s11 =	simm.s32 $0x1800;
	s4 =	sadd.s32 $0x906000, s6  }
0xd: {  	s6 =	sadd.s32 s8, s30;
	s31 =	sadd.s32 s7, s8;
	s7 =	smax.u32 s9, $0x1  }
0xe: {  	s6 =	sadd.s32 $0x17800, s6;
	s8 =	sadd.s32 $0x800, s31;
	s9 =	sadd.s32 $0x1000, s31  }
.LBB2_1:
0xf: {  	[tilespmem:s3], [sflag:$0x3] =	stream.linear.gather [hbm4b:s4+s3], $0x1800, $0x38;
	[tilespmem:$0x9800] =	vst v63  }
0x10: {  	_ =	swait.ge [sflag:s10], $0x1800  }
0x11: {  	[sflag:s10] =	ssyncset.done $0x0  }
0x12: {  	[sflag:s10] =	ssyncadd.s32 $0xFFFFE800  }
0x13: {  	[tilespmem:s11], [sflag:$0x3] =	stream.linear.gather [hbm4b:s5+s3], $0x4000, $0x38;
	[tilespmem:$0x9800] =	vst v63  }
0x14: {  	_ =	swait.ge [sflag:s10], $0x4000  }
0x15: {  	[sflag:s10] =	ssyncset.done $0x0  }
0x16: {  	[sflag:s10] =	ssyncadd.s32 $0xFFFFC000  }
0x17: {  	[hbm4b:s2+s13] =	stream.indirect.scatter [tilespmem:s11], [sflag:$0x1], $0x80, s3, s13, $0xb8;
	[tilespmem:$0x9800] =	vst v63  }
0x18: {  	s18 =	sadd.s32 $0x0, s8  }
0x19: {  	[tilespmem:s12], [sflag:$0x3] =	stream.linear.gather [hbm4b:s18+s3], $0x4000, $0x38;
	[tilespmem:$0x9800] =	vst v63  }
0x1a: {  	_ =	swait.ge [sflag:s10], $0x4000  }
0x1b: {  	[sflag:s10] =	ssyncset.done $0x0  }
0x1c: {  	[sflag:s10] =	ssyncadd.s32 $0xFFFFC000  }
0x1d: {  	[hbm4b:s2+s13] =	stream.indirect.scatter [tilespmem:s12], [sflag:$0x2], $0x80, s13, s13, $0xb8;
	[tilespmem:$0x9800] =	vst v63  }
0x1e: {  	_ =	swait.ge [sflag:s14], $0x4000  }
0x1f: {  	[sflag:s14] =	ssyncset.done $0x0  }
0x20: {  	s30 =	sadd.s32 $0x0, s9;
	[sflag:s14] =	ssyncadd.s32 $0xFFFFC000  }
0x21: {  	[tilespmem:s11], [sflag:$0x3] =	stream.linear.gather [hbm4b:s30+s3], $0x4000, $0x38;
	[tilespmem:$0x9800] =	vst v63  }
0x22: {  	_ =	swait.ge [sflag:s10], $0x4000  }
0x23: {  	[sflag:s10] =	ssyncset.done $0x0  }
0x24: {  	s31 =	simm.s32 $0x100;
	[sflag:s10] =	ssyncadd.s32 $0xFFFFC000  }
0x25: {  	[hbm4b:s2+s13] =	stream.indirect.scatter [tilespmem:s11], [sflag:$0x1], $0x80, s31, s13, $0xb8;
	[tilespmem:$0x9800] =	vst v63  }
0x26: {  	s19 =	simm.s32 $0x1000;
	_ =	swait.ge [sflag:s15], $0x4000  }
0x27: {  	s20 =	simm.s32 $0x2000;
	s18 =	simm.s32 $0x180;
	[sflag:s15] =	ssyncset.done $0x0  }
.LBB2_2:
0x28: {  	s21 =	sadd.s32 s19, s8  }
0x29: {  	[sflag:s15] =	ssyncadd.s32 $0xFFFFC000;
	s22 =	smov.u32 s20;
	s23 =	sadd.s32 $0x1000, s20  }
0x2a: {  	[tilespmem:s12], [sflag:$0x3] =	stream.linear.gather [hbm4b:s21+s3], $0x4000, $0x38;
	[tilespmem:$0x9800] =	vst v63  }
0x2b: {  	p0 =	sne.s32 s20, $0x16000;
	_ =	swait.ge [sflag:s10], $0x4000  }
0x2c: {  	[sflag:s10] =	ssyncset.done $0x0  }
0x2d: {  	[sflag:s10] =	ssyncadd.s32 $0xFFFFC000  }
0x2e: {  	[hbm4b:s2+s13] =	stream.indirect.scatter [tilespmem:s12], [sflag:$0x2], $0x80, s18, s13, $0xb8;
	[tilespmem:$0x9800] =	vst v63  }
0x2f: {  	_ =	swait.ge [sflag:s14], $0x4000  }
0x30: {  	[sflag:s14] =	ssyncset.done $0x0  }
0x31: {  	s20 =	sadd.s32 s19, s9;
	s19 =	smov.u32 s22;
	[sflag:s14] =	ssyncadd.s32 $0xFFFFC000  }
0x32: {  	[tilespmem:s11], [sflag:$0x3] =	stream.linear.gather [hbm4b:s20+s3], $0x4000, $0x38;
	[tilespmem:$0x9800] =	vst v63  }
0x33: {  	_ =	swait.ge [sflag:s10], $0x4000  }
.Ltmp0:
0x34: {  	[sflag:s10] =	ssyncset.done $0x0;
	(pc) =	sbr.rel @p0 .LBB2_2-.Ltmp0, $4  }
0x35: {  	s20 =	sadd.s32 $0x80, s18;
	[sflag:s10] =	ssyncadd.s32 $0xFFFFC000  }
0x36: {  	[hbm4b:s2+s13] =	stream.indirect.scatter [tilespmem:s11], [sflag:$0x1], $0x80, s20, s13, $0xb8;
	[tilespmem:$0x9800] =	vst v63  }
0x37: {  	_ =	swait.ge [sflag:s15], $0x4000  }
0x38: {  	s18 =	sadd.s32 $0x100, s18;
	s20 =	smov.u32 s23;
	[sflag:s15] =	ssyncset.done $0x0  }
0x39: {  	s20 =	sadd.s32 s19, s8;
	[sflag:s15] =	ssyncadd.s32 $0xFFFFC000  }
0x3a: {  	[tilespmem:s12], [sflag:$0x3] =	stream.linear.gather [hbm4b:s20+s3], $0x4000, $0x38;
	[tilespmem:$0x9800] =	vst v63  }
0x3b: {  	_ =	swait.ge [sflag:s10], $0x4000  }
0x3c: {  	[sflag:s10] =	ssyncset.done $0x0  }
0x3d: {  	[sflag:s10] =	ssyncadd.s32 $0xFFFFC000  }
0x3e: {  	[hbm4b:s2+s13] =	stream.indirect.scatter [tilespmem:s12], [sflag:$0x2], $0x80, s18, s13, $0xb8;
	[tilespmem:$0x9800] =	vst v63  }
0x3f: {  	_ =	swait.ge [sflag:s14], $0x4000  }
0x40: {  	[sflag:s14] =	ssyncset.done $0x0  }
0x41: {  	s30 =	sadd.s32 s19, s9;
	[sflag:s14] =	ssyncadd.s32 $0xFFFFC000  }
0x42: {  	[tilespmem:s11], [sflag:$0x3] =	stream.linear.gather [hbm4b:s30+s3], $0x4000, $0x38;
	[tilespmem:$0x9800] =	vst v63  }
0x43: {  	_ =	swait.ge [sflag:s10], $0x4000  }
0x44: {  	[sflag:s10] =	ssyncset.done $0x0  }
0x45: {  	s31 =	sadd.s32 $0x80, s18;
	[sflag:s10] =	ssyncadd.s32 $0xFFFFC000  }
0x46: {  	[hbm4b:s2+s13] =	stream.indirect.scatter [tilespmem:s11], [sflag:$0x1], $0x80, s31, s13, $0xb8;
	[tilespmem:$0x9800] =	vst v63  }
0x47: {  	_ =	swait.ge [sflag:s15], $0x4000  }
0x48: {  	[sflag:s15] =	ssyncset.done $0x0  }
0x49: {  	[sflag:s15] =	ssyncadd.s32 $0xFFFFC000  }
0x4a: {  	[tilespmem:s12], [sflag:$0x3] =	stream.linear.gather [hbm4b:s6+s3], $0x4000, $0x38;
	[tilespmem:$0x9800] =	vst v63  }
0x4b: {  	_ =	swait.ge [sflag:s10], $0x4000  }
0x4c: {  	[sflag:s10] =	ssyncset.done $0x0  }
0x4d: {  	s17 =	sadd.s32 $0x1, s17;
	[sflag:s10] =	ssyncadd.s32 $0xFFFFC000  }
0x4e: {  	[hbm4b:s2+s13] =	stream.indirect.scatter [tilespmem:s12], [sflag:$0x2], $0x80, s16, s13, $0xb8;
	[tilespmem:$0x9800] =	vst v63  }
0x4f: {  	p0 =	sne.s32 s17, s7;
	_ =	swait.ge [sflag:s14], $0x4000  }
.Ltmp1:
0x50: {  	[sflag:s14] =	ssyncset.done $0x0;
	(pc) =	sbr.rel @p0 .LBB2_1-.Ltmp1, $4  }
0x51: {  	[sflag:s14] =	ssyncadd.s32 $0xFFFFC000  }
0x52: {  	_ =	swait.ge [sflag:s15], $0x4000  }
0x53: {  	[sflag:s15] =	ssyncset.done $0x0  }
0x54: {  	[sflag:s15] =	ssyncadd.s32 $0xFFFFC000  }
0x55: {  	_ =	sfence.sel $0x180000  }
0x56: {  	[bflag:$0x0] =	sbarrier.arrive $0xFFFF  }
0x57: {  	p0 =	sne.s32 s0, $0x0;
	_ =	strace $0x90000050  }
0x58: {  	s0 =	sadd.s32 @!p0 $0x100000, s1;
	[bflag:$0x2] =	sbarrier.arrive $0xFFFF  }
0x59: {  	[sflag:s0] =	ssyncadd.tile.s32 @!p0 $0x1;
	_ =	shalt  }
.Lfunc_end2:
_tile_overlayer_lowered:
.L_overlay_start_2:
0x5a: {  	(tag) =	ssettag $0x2  }
0x5b: {  	s0 =	rddreg [dreg:$0x0];
	s2 =	stileid.u32  }
0x5c: {  	s1 =	rddreg [dreg:$0x1];
	p0 =	sne.s32 s2, $0x0  }
0x5d: {  	s3 =	rddreg [dreg:$0x2];
	[bflag:$0x3] =	sbarrier.arrive $0xFFFF;
	s2 =	simm.s32 @!p0 $0x1C03  }
0x5e: {  	[timem:s3], [sflag:s2] =	dma.local @!p0 [hbm:s0], s1  }
0x5f: {  	s0 =	simm.s32 @!p0 $0x3  }
0x60: {  	_ =	swait.ge @!p0 [sflag:s0], s1  }
0x61: {  	s1 =	ssub.s32 @!p0 $0x0, s1;
	[sflag:s0] =	ssyncset.done @!p0 $0x0  }
0x62: {  	[sflag:s0] =	ssyncadd.s32 @!p0 s1  }
0x63: {  	[bflag:$0x3] =	sbarrier.arrive $0xFFFF  }
0x64: {  	_ =	shalt  }

// kernel: sparse-core-data-format-call.1.cloned.1.call-start
scs
called_computation.1_lowered:
.L_overlay_start_0:
0x0: {  	s2 =	sld [smem:$0x3FD9]  }
0x1: {  	s3 =	sld [smem:$0x3FFE];
	_ =	sdelay $0x1  }
0x2: {  	s1 =	srdreg.scid  }
0x3: {  	s0 =	sand.u32 $0x1, s1  }
0x4: {  	s18 =	sshll.u32 s0, $0xA;
	s2 =	sadd.s32 s3, s2  }
0x5: {  	s2 =	sadd.s32 s2, s18  }
0x6: {  	[smem:$0x3FC2] =	sst s2  }
0x7: {  	_ = 	snop  }
0x8: {  	(tm) =	ssettm $0x1  }
0x9: {  	s19 =	sld [smem:$0x3FFB];
	_ =	sdelay $0x3  }
0xa: {  	_ =	strace s19  }
0xb: {  	s2 =	sld [smem:$0x3FFC];
	_ =	sdelay $0x3  }
0xc: {  	_ =	strace s2  }
0xd: {  	s2 =	sld [smem:$0x3FFD];
	_ =	sdelay $0x3  }
0xe: {  	_ =	strace s2  }
0xf: {  	_ =	strace $0x8FFFFFFF  }
0x10: {  	s20 =	sld [smem:$0x3FDB];
	_ =	sdelay $0x1  }
0x11: {  	s21 =	simm.s32 $_scs_section_size  }
0x12: {  	s4 =	simm.s32 $_size__tile_overlayer_lowered;
	s5 =	simm.s32 $_tile_overlayer_lowered  }
0x13: {  	s6 =	simm.s32 $0x1BFF;
	s22 =	sshll.u32 s5, $0x1;
	s3 =	sadd.s32 s21, s20  }
0x14: {  	s23 =	simm.s32 $0x0;
	s4 =	sshll.u32 s4, $0x1;
	s5 =	sadd.s32 s22, s3  }
0x15: {  	[timem:s23], [sflag:s6] =	dma.local [hbm:s5], s4  }
0x16: {  	_ =	swait.ge [sflag:s6], s4  }
0x17: {  	s4 =	ssub.s32 $0x0, s4;
	[sflag:s6] =	ssyncset.done $0x0  }
0x18: {  	[sflag:s6] =	ssyncadd.s32 s4;
	_ =	sdelay $0x1  }
0x19: {  	s24 =	simm.s32 $0x1B8B  }
0x1a: {  	_ =	swait.ge [sflag:s24], $0x1  }
0x1b: {  	[sflag:s24] =	ssyncset.done $0x0  }
0x1c: {  	[sflag:s24] =	ssyncadd.s32 $0xFFFFFFFF  }
0x1d: {  	s4 =	sld [smem:$0x0]  }
0x1e: {  	s5 =	sand.u32 $0xFFFFFFFE, s1  }
0x1f: {  	p0 =	sne.s32 s1, s5  }
0x20: {  	s5 =	sshll.u32 @p0 s5, $0xE  }
0x21: {  	s5 =	sadd.s32 @p0 $0x11B8D, s5;
	s6 =	sshll.u32 @p0 s4, $0x11  }
0x22: {  	s5 =	sor.u32 @p0 s6, s5  }
0x23: {  	[sflag:s5] =	ssyncadd.remote.s32 @p0 $0x1;
	_ =	sdelay $0x1  }
0x24: {  	s5 =	simm.s32 @p0 $0x1B8D  }
0x25: {  	_ =	swait.eq @p0 [sflag:s5], $0x1  }
0x26: {  	[sflag:s5] =	ssyncadd.s32 @p0 $0xFFFFFFFF  }
0x27: {  	s6 =	sshll.u32 @!p0 s1, $0xE  }
0x28: {  	s6 =	sor.u32 @!p0 $0x4000, s6;
	s5 =	simm.s32 @!p0 $0x1B8D  }
0x29: {  	s4 =	sshll.u32 @!p0 s4, $0x11;
	s6 =	sadd.s32 @!p0 $0x11B8D, s6;
	_ =	swait.eq @!p0 [sflag:s5], $0x1  }
0x2a: {  	s4 =	sor.u32 @!p0 s4, s6;
	[sflag:s5] =	ssyncadd.s32 @!p0 $0xFFFFFFFF  }
0x2b: {  	s26 =	simm.s32 $0x1B8E;
	s25 =	sld [smem:$0x3FFE];
	[sflag:s4] =	ssyncadd.remote.s32 @!p0 $0x1  }
0x2c: {  	s27 =	simm.s32 $execute0_lowered;
	[smem:$0x3FD2] =	sst s26  }
0x2d: {  	s5 =	sshll.u32 s27, $0x1;
	_ =	strace $0x80000049;
	[dreg:$0x1] =	wrdreg $0xFFFFFFFF  }
0x2e: {  	s28 =	simm.s32 $_size_execute0_lowered;
	s3 =	sadd.s32 s3, s5;
	[dreg:$0x0] =	wrdreg $0x0  }
0x2f: {  	s5 =	sshll.u32 s28, $0x1;
	[dreg:$0x2] =	wrdreg s3  }
0x30: {  	[dreg:$0x3] =	wrdreg s5  }
0x31: {  	[dreg:$0x4] =	wrdreg $0xC0  }
0x32: {  	_ =	task [dreg:s23], $0x5FFFF  }
0x33: {  	[dreg:$0x1] =	wrdreg $0xFFFFFFFF  }
0x34: {  	[dreg:$0x0] =	wrdreg $0x60  }
0x35: {  	[dreg:$0x2] =	wrdreg s25  }
0x36: {  	[dreg:$0x3] =	wrdreg $0xA  }
0x37: {  	_ =	task.clear_ibuf [dreg:s23], $0x4FFFF;
	_ =	strace $0x90000049  }
0x38: {  	s29 =	simm.s32 $0xA;
	_ =	strace $0x8000004B  }
0x39: {  	_ =	swait.ge [sflag:s29], $0x1  }
0x3a: {  	[sflag:s29] =	ssyncadd.s32 $0xFFFFFFFF  }
0x3b: {  	_ =	strace $0x9000004B  }
0x3c: {  	_ =	sfence  }
0x3d: {  	s30 =	sld [smem:$0x0];
	_ =	sdelay $0x2  }
0x3e: {  	s31 =	sshll.u32 s1, $0xD;
	s1 =	sshrl.u32 s1, $0x2  }
0x3f: {  	s4 =	sand.u32 $0x4000, s31;
	s1 =	sadd.s32 s1, s30  }
0x40: {  	s0 =	sor.u32 s4, s0;
	s1 =	sshll.u32 s1, $0x11  }
0x41: {  	s0 =	sor.u32 s1, s0  }
0x42: {  	s0 =	sadd.s32 $0x8F2B, s0  }
0x43: {  	[sflag:s0] =	ssyncadd.remote.s32 $0x1  }
0x44: {  	_ =	sfence.sel $0xFFFF  }
0x45: {  	[dreg:$0x0] =	wrdreg $0xFFFFFFFF;
	(pc) =	sbr.abs _section_cstart, $3  }
0x46: {  	[dreg:$0x1] =	wrdreg $0xFFFFFFFF  }
0x47: {  	_ =	task.clear_ibuf [dreg:s23], $0x2FFFF;
	_ =	strace $0x9FFFFFFF  }
0x48: {  	(tm) =	ssettm $0x7FFFFFFF  }
0x49: {  	_ =	shalt  }
tec
execute0_lowered:
.L_overlay_start_1:
0x0: {  	(tag) =	ssettag $0x1  }
0x1: {  	s0 =	srdreg.scid  }
0x2: {  	s1 =	sshll.u32 s0, $0x4  }
0x3: {  	s0 =	stileid.u32;
	s1 =	sand.u32 $0x10, s1  }
0x4: {  	s5 =	rddreg [dreg:$0x0];
	s1 =	sor.u32 s0, s1  }
0x5: {  	s4 =	simm.s32 $0x1;
	s31 =	simm.s32 $0x2;
	s2 =	sshll.u32 s1, $0x8  }
0x6: {  	s12 =	simm.s32 $0x0;
	s8 =	simm.s32 $0x40;
	s3 =	ssub.s32 $0x2000, s2  }
0x7: {  	s9 =	simm.s32 $0x80;
	s13 =	simm.s32 $0x0;
	s30 =	sand.u32 $0x1F00, s3  }
0x8: {  	s10 =	simm.s32 $0x0;
	s1 =	rddreg [dreg:$0x1];
	p0 =	sne.s32 s30, $0x0  }
.Ltmp0:
0x9: {  	s6 =	sshrl.u32 s3, $0xD;
	s4 =	simm.s32 @!p0 $0x0;
	(pc) =	sbr.rel .LBB1_1-.Ltmp0, $4  }
0xa: {  	_ =	strace $0x8000004A;
	s3 =	simm.s32 $0x1;
	s4 =	sadd.s32 s4, s6  }
0xb: {  	s11 =	simm.s32 $0x0;
	[sflag:s3] =	ssyncpa.u1 $0x0;
	s4 =	smul.u32 $0x18, s4  }
0xc: {  	s7 =	sadd.s32 s2, s5;
	s5 =	sadd.s32 $0x606000, s5;
	[sflag:s31] =	ssyncpa.u1 $0x0  }
0xd: {  	p0 =	por $0x0, $0x0;
	s6 =	sadd.s32 $0x486000, s7;
	s7 =	sor.u32 $0x1, s4  }
.LBB1_4:
0xe: {  	_ = 	snop  }
0xf: {  	[tilespmem:s18+$0x1860 ss:$0x41] =	vst.msk $0xffff, v8  }
0x10: {  	[tilespmem:s18+$0x1C70 ss:$0x41] =	vst.msk $0xffff, v7  }
0x11: {  	[tilespmem:s18+$0x2490 ss:$0x41] =	vst.msk $0xffff, v1  }
0x12: {  	s21 =	sor.u32 s24, s23;
	v47 =	vld.idx.msk [tilespmem:v0+s16+$0x470 ss:$0x1], $0xffff;
	[tilespmem:s18+$0x28A0 ss:$0x41] =	vst.msk $0xffff, v2  }
0x13: {  	[tilespmem:s18+$0x2CB0 ss:$0x41] =	vst.msk $0xffff, v3;
	v57 =	vld.idx.msk [tilespmem:v0+s21+$0x410 ss:$0x1], $0xffff  }
0x14: {  	[tilespmem:s18+$0x30C0 ss:$0x41] =	vst.msk $0xffff, v4;
	v58 =	vld.idx.msk [tilespmem:v0+s21+$0x420 ss:$0x1], $0xffff  }
0x15: {  	[tilespmem:s18+$0x34D0 ss:$0x41] =	vst.msk $0xffff, v5;
	v59 =	vld.idx.msk [tilespmem:v0+s21+$0x430 ss:$0x1], $0xffff  }
0x16: {  	s31 =	sshra.s32 s19, $0x2;
	[tilespmem:s18+$0x38E0 ss:$0x41] =	vst.msk $0xffff, v6;
	v60 =	vld.idx.msk [tilespmem:v0+s21+$0x440 ss:$0x1], $0xffff  }
0x17: {  	s22 =	sand.u32 $0x3B00, s21;
	s16 =	sadd.s32 s31, s17;
	v61 =	vld.idx.msk [tilespmem:v0+s21+$0x450 ss:$0x1], $0xffff;
	[tilespmem:s18+$0x3CF0 ss:$0x41] =	vst.msk $0xffff, v47  }
0x18: {  	s20 =	sand.u32 $0x80, s20;
	v62 =	vld.idx.msk [tilespmem:v0+s21+$0x460 ss:$0x1], $0xffff;
	s15 =	sadd.s32 s22, s15;
	[tilespmem:s16+$0x2490 ss:$0x41] =	vst.msk $0xffff, v57  }
0x19: {  	v63 =	vld.idx.msk [tilespmem:v0+s21+$0x470 ss:$0x1], $0xffff;
	s15 =	sadd.s32 s20, s15;
	[tilespmem:s16+$0x28A0 ss:$0x41] =	vst.msk $0xffff, v58  }
0x1a: {  	v48 =	vld [tilespmem:s15+$0x400];
	[tilespmem:s16+$0x2CB0 ss:$0x41] =	vst.msk $0xffff, v59  }
0x1b: {  	v49 =	vld [tilespmem:s15+$0x0];
	[tilespmem:s16+$0x30C0 ss:$0x41] =	vst.msk $0xffff, v60  }
0x1c: {  	v50 =	vld [tilespmem:s15+$0x10];
	[tilespmem:s16+$0x34D0 ss:$0x41] =	vst.msk $0xffff, v61  }
0x1d: {  	v51 =	vld [tilespmem:s15+$0x20];
	[tilespmem:s16+$0x38E0 ss:$0x41] =	vst.msk $0xffff, v62  }
0x1e: {  	v52 =	vld [tilespmem:s15+$0x30];
	[tilespmem:s16+$0x3CF0 ss:$0x41] =	vst.msk $0xffff, v63  }
0x1f: {  	v53 =	vld [tilespmem:s15+$0x40];
	[tilespmem:s16+$0x2080 ss:$0x41] =	vst.msk $0xffff, v48  }
0x20: {  	v54 =	vld [tilespmem:s15+$0x50];
	[tilespmem:s16+$0x0 ss:$0x41] =	vst.msk $0xffff, v49  }
0x21: {  	v55 =	vld [tilespmem:s15+$0x60];
	[tilespmem:s16+$0x410 ss:$0x41] =	vst.msk $0xffff, v50  }
0x22: {  	v56 =	vld [tilespmem:s15+$0x70];
	[tilespmem:s16+$0x820 ss:$0x41] =	vst.msk $0xffff, v51  }
0x23: {  	[tilespmem:s16+$0xC30 ss:$0x41] =	vst.msk $0xffff, v52  }
0x24: {  	[tilespmem:s16+$0x1040 ss:$0x41] =	vst.msk $0xffff, v53  }
0x25: {  	s12 =	sshll.u32 s12, $0x4;
	s13 =	sshll.u32 s13, $0x11;
	[tilespmem:s16+$0x1450 ss:$0x41] =	vst.msk $0xffff, v54  }
0x26: {  	s12 =	sand.u32 $0x1F000, s12;
	s13 =	sadd.s32 s5, s13;
	[tilespmem:s16+$0x1860 ss:$0x41] =	vst.msk $0xffff, v55  }
0x27: {  	s12 =	sadd.s32 s12, s13;
	[tilespmem:s16+$0x1C70 ss:$0x41] =	vst.msk $0xffff, v56  }
0x28: {  	[hbm4b:s12+s8] =	stream.strided.scatter [tilespmem:s14], [sflag:$0x2], $0x4000, s9, s8, $0x18;
	[tilespmem:$0x10200] =	vst v63  }
.LBB1_5:
0x29: {  	s14 =	sadd.s32 $0x1, s10  }
0x2a: {  	p2 =	sgt.s32 s14, $0x17  }
0x2b: {  	s14 =	simm.s32 @p2 $0x0;
	p2 =	sne.s32 s11, s7  }
.Ltmp1:
0x2c: {  	p1 =	slt.u32 s11, $0x2;
	(pc) =	sbr.rel @!p2 .LBB1_6-.Ltmp1, $4  }
0x2d: {  	s12 =	simm.s32 @!p1 $0x2  }
0x2e: {  	s15 =	sadd.s32 $0x1, s11;
	s13 =	smov.u32 s10;
	_ =	swait.ge @!p1 [sflag:s12], $0x4000  }
0x2f: {  	p0 =	por !p0, !p0;
	s11 =	smov.u32 s15;
	[sflag:s12] =	ssyncset.done @!p1 $0x0  }
0x30: {  	s10 =	smov.u32 s14;
	[sflag:s12] =	ssyncadd.s32 @!p1 $0xFFFFC000;
	s12 =	smov.u32 s2  }
.LBB1_1:
0x31: {  	p1 =	sge.u32 s11, s4  }
0x32: {  	s31 =	sadd.s32 $0xFFFFFFFF, s11;
	s14 =	sxor.u32 @!p1 $0xFFFFFFFF, s11  }
0x33: {  	s15 =	sshll.u32 @!p1 s10, $0x10;
	s16 =	simm.s32 @!p1 $0x800;
	s14 =	sshll.u32 @!p1 s14, $0xE  }
0x34: {  	s17 =	simm.s32 @!p1 $0x10000;
	s15 =	sadd.s32 @!p1 s15, s6;
	s14 =	sand.u32 @!p1 $0x4000, s14  }
0x35: {  	[tilespmem:s14], [sflag:$0x1] =	stream.strided.gather @!p1 [hbm4b:s15+s16], $0x4000, s17, s16, $0x38;
	[tilespmem:$0x10200] =	vst v63  }
0x36: {  	p1 =	sge.u32 s31, s4  }
.Ltmp2:
0x37: {  	_ = 	snop;
	(pc) =	sbr.rel @p1 .LBB1_5-.Ltmp2, $1  }
0x38: {  	_ =	sdelay $0x3  }
0x39: {  	s17 =	simm.s32 $0x0  }
0x3a: {  	s16 =	sand.u32 $0x3800, s17;
	s18 =	sand.u32 $0x380, s17  }
0x3b: {  	s14 =	sand.u32 $0x1, s11;
	s16 =	sor.u32 s18, s16  }
0x3c: {  	_ =	swait.ge [sflag:s3], $0x4000;
	s15 =	sshll.u32 s14, $0xE;
	s18 =	sand.u32 $0x3B00, s16  }
0x3d: {  	[sflag:s3] =	ssyncset.done $0x0;
	s17 =	sand.u32 $0x80, s17;
	s18 =	sadd.s32 s18, s15  }
0x3e: {  	[sflag:s3] =	ssyncadd.s32 $0xFFFFC000;
	s20 =	sadd.s32 s17, s18  }
0x3f: {  	v4 =	vld [tilespmem:s20+$0x400]  }
0x40: {  	s19 =	simm.s32 $0x1;
	v5 =	vld [tilespmem:s20+$0x0]  }
0x41: {  	s19 =	simm.s32 @!p0 $0x0;
	v6 =	vld [tilespmem:s20+$0x10]  }
0x42: {  	v0 =	vmov s15;
	s31 =	smul.u32 $0x10400, s19;
	v7 =	vld [tilespmem:s20+$0x20]  }
0x43: {  	v9 =	vld [tilespmem:s20+$0x30]  }
0x44: {  	s17 =	sshrl.u32 s31, $0x2;
	v10 =	vld [tilespmem:s20+$0x40]  }
0x45: {  	s17 =	sor.u32 $0x8000, s17;
	v11 =	vld [tilespmem:s20+$0x50]  }
0x46: {  	v8 =	vld [tilespmem:s20+$0x60];
	s18 =	sadd.s32 $0x0, s17  }
0x47: {  	v1 =	vld.idx.msk [tilespmem:v0+s16+$0x410 ss:$0x1], $0xffff;
	[tilespmem:s18+$0x2080 ss:$0x41] =	vst.msk $0xffff, v4  }
0x48: {  	v2 =	vld.idx.msk [tilespmem:v0+s16+$0x420 ss:$0x1], $0xffff;
	[tilespmem:s18+$0x0 ss:$0x41] =	vst.msk $0xffff, v5  }
0x49: {  	v3 =	vld.idx.msk [tilespmem:v0+s16+$0x430 ss:$0x1], $0xffff;
	[tilespmem:s18+$0x410 ss:$0x41] =	vst.msk $0xffff, v6  }
0x4a: {  	s14 =	smul.u32 $0x10400, s14;
	[tilespmem:s18+$0x820 ss:$0x41] =	vst.msk $0xffff, v7;
	v7 =	vld [tilespmem:s20+$0x70]  }
0x4b: {  	s21 =	simm.s32 $0x100;
	s22 =	simm.s32 $0x8;
	[tilespmem:s18+$0xC30 ss:$0x41] =	vst.msk $0xffff, v9;
	v4 =	vld.idx.msk [tilespmem:v0+s16+$0x440 ss:$0x1], $0xffff  }
0x4c: {  	s23 =	sand.u32 $0x3800, s21;
	s14 =	sshrl.u32 s14, $0x2;
	[tilespmem:s18+$0x1040 ss:$0x41] =	vst.msk $0xffff, v10;
	v5 =	vld.idx.msk [tilespmem:v0+s16+$0x450 ss:$0x1], $0xffff;
	s20 =	simm.s32 $0x80  }
0x4d: {  	s19 =	simm.s32 $0x4;
	s14 =	sor.u32 $0x8000, s14;
	[tilespmem:s18+$0x1450 ss:$0x41] =	vst.msk $0xffff, v11;
	v6 =	vld.idx.msk [tilespmem:v0+s16+$0x460 ss:$0x1], $0xffff;
	s24 =	sand.u32 $0x380, s20  }
.LBB1_3:
0x4e: {  	p1 =	sne.s32 s22, $0xFC;
	[tilespmem:s18+$0x1860 ss:$0x41] =	vst.msk $0xffff, v8;
	v8 =	vld.idx.msk [tilespmem:v0+s16+$0x470 ss:$0x1], $0xffff;
	s16 =	sor.u32 s24, s23  }
0x4f: {  	s23 =	sand.u32 $0x3B00, s16;
	v9 =	vld.idx.msk [tilespmem:v0+s16+$0x410 ss:$0x1], $0xffff;
	[tilespmem:s18+$0x1C70 ss:$0x41] =	vst.msk $0xffff, v7  }
0x50: {  	s24 =	sand.u32 $0x80, s20;
	s23 =	sadd.s32 s23, s15;
	v7 =	vld.idx.msk [tilespmem:v0+s16+$0x420 ss:$0x1], $0xffff;
	[tilespmem:s18+$0x2490 ss:$0x41] =	vst.msk $0xffff, v1  }
0x51: {  	s23 =	sadd.s32 s24, s23;
	v10 =	vld.idx.msk [tilespmem:v0+s16+$0x430 ss:$0x1], $0xffff;
	[tilespmem:s18+$0x28A0 ss:$0x41] =	vst.msk $0xffff, v2  }
0x52: {  	v11 =	vld [tilespmem:s23+$0x400];
	[tilespmem:s18+$0x2CB0 ss:$0x41] =	vst.msk $0xffff, v3  }
0x53: {  	v12 =	vld [tilespmem:s23+$0x0];
	[tilespmem:s18+$0x30C0 ss:$0x41] =	vst.msk $0xffff, v4  }
0x54: {  	v4 =	vld [tilespmem:s23+$0x10];
	[tilespmem:s18+$0x34D0 ss:$0x41] =	vst.msk $0xffff, v5  }
0x55: {  	s24 =	sshra.s32 s19, $0x2;
	s19 =	smov.u32 s22;
	v1 =	vmov v9;
	v5 =	vld [tilespmem:s23+$0x20];
	[tilespmem:s18+$0x38E0 ss:$0x41] =	vst.msk $0xffff, v6  }
0x56: {  	v2 =	vmov v7;
	v6 =	vld [tilespmem:s23+$0x30];
	[tilespmem:s18+$0x3CF0 ss:$0x41] =	vst.msk $0xffff, v8;
	s18 =	sadd.s32 s24, s17  }
0x57: {  	v3 =	vmov v10;
	v9 =	vld [tilespmem:s23+$0x40];
	[tilespmem:s18+$0x2080 ss:$0x41] =	vst.msk $0xffff, v11  }
0x58: {  	[tilespmem:s18+$0x0 ss:$0x41] =	vst.msk $0xffff, v12;
	v10 =	vld [tilespmem:s23+$0x50]  }
.Ltmp3:
0x59: {  	[tilespmem:s18+$0x410 ss:$0x41] =	vst.msk $0xffff, v4;
	v8 =	vld [tilespmem:s23+$0x60];
	(pc) =	sbr.rel @p1 .LBB1_3-.Ltmp3, $4  }
0x5a: {  	[tilespmem:s18+$0x820 ss:$0x41] =	vst.msk $0xffff, v5;
	v7 =	vld [tilespmem:s23+$0x70]  }
0x5b: {  	[tilespmem:s18+$0xC30 ss:$0x41] =	vst.msk $0xffff, v6;
	v4 =	vld.idx.msk [tilespmem:v0+s16+$0x440 ss:$0x1], $0xffff  }
0x5c: {  	s20 =	sadd.s32 $0x80, s20;
	s21 =	sadd.s32 $0x100, s21;
	[tilespmem:s18+$0x1040 ss:$0x41] =	vst.msk $0xffff, v9;
	v5 =	vld.idx.msk [tilespmem:v0+s16+$0x450 ss:$0x1], $0xffff  }
0x5d: {  	s22 =	sadd.s32 $0x4, s22;
	s24 =	sand.u32 $0x380, s20;
	s23 =	sand.u32 $0x3800, s21;
	[tilespmem:s18+$0x1450 ss:$0x41] =	vst.msk $0xffff, v10;
	v6 =	vld.idx.msk [tilespmem:v0+s16+$0x460 ss:$0x1], $0xffff  }
.Ltmp4:
0x5e: {  	_ = 	snop;
	(pc) =	sbr.rel .LBB1_4-.Ltmp4, $1  }
0x5f: {  	_ =	sdelay $0x3  }
.LBB1_6:
0x60: {  	_ =	sfence.sel $0x180000  }
0x61: {  	s2 =	simm.s32 $0x1;
	[bflag:$0x0] =	sbarrier.arrive $0xFFFF  }
0x62: {  	s31 =	simm.s32 $0x2;
	[sflag:s2] =	ssyncpa.u1 $0x1  }
0x63: {  	[sflag:s31] =	ssyncpa.u1 $0x1  }
0x64: {  	p0 =	sne.s32 s0, $0x0;
	_ =	strace $0x9000004A  }
0x65: {  	s0 =	sadd.s32 @!p0 $0x100000, s1;
	[bflag:$0x2] =	sbarrier.arrive $0xFFFF  }
0x66: {  	[sflag:s0] =	ssyncadd.tile.s32 @!p0 $0x1;
	_ =	shalt  }
.Lfunc_end1:
_tile_overlayer_lowered:
.L_overlay_start_2:
0x67: {  	(tag) =	ssettag $0x2  }
0x68: {  	s0 =	rddreg [dreg:$0x0];
	s2 =	stileid.u32  }
0x69: {  	s1 =	rddreg [dreg:$0x1];
	p0 =	sne.s32 s2, $0x0  }
0x6a: {  	s3 =	rddreg [dreg:$0x2];
	[bflag:$0x3] =	sbarrier.arrive $0xFFFF;
	s2 =	simm.s32 @!p0 $0x1C01  }
0x6b: {  	[timem:s3], [sflag:s2] =	dma.local @!p0 [hbm:s0], s1  }
0x6c: {  	s0 =	simm.s32 @!p0 $0x1  }
0x6d: {  	_ =	swait.ge @!p0 [sflag:s0], s1  }
0x6e: {  	s1 =	ssub.s32 @!p0 $0x0, s1;
	[sflag:s0] =	ssyncset.done @!p0 $0x0  }
0x6f: {  	[sflag:s0] =	ssyncadd.s32 @!p0 s1  }
0x70: {  	[bflag:$0x3] =	sbarrier.arrive $0xFFFF  }
0x71: {  	_ =	shalt  }

// kernel: sparse-core-data-format-call.cloned.1.call-start
scs
called_computation_lowered:
.L_overlay_start_0:
0x0: {  	s1 =	sld [smem:$0x3FD9]  }
0x1: {  	s2 =	sld [smem:$0x3FFE];
	_ =	sdelay $0x1  }
0x2: {  	s3 =	srdreg.scid  }
0x3: {  	s0 =	sand.u32 $0x1, s3  }
0x4: {  	s17 =	sshll.u32 s0, $0xA;
	s1 =	sadd.s32 s2, s1  }
0x5: {  	s1 =	sadd.s32 s1, s17  }
0x6: {  	[smem:$0x3FC2] =	sst s1  }
0x7: {  	_ = 	snop  }
0x8: {  	(tm) =	ssettm $0x1  }
0x9: {  	s18 =	sld [smem:$0x3FFB];
	_ =	sdelay $0x3  }
0xa: {  	_ =	strace s18  }
0xb: {  	s1 =	sld [smem:$0x3FFC];
	_ =	sdelay $0x3  }
0xc: {  	_ =	strace s1  }
0xd: {  	s1 =	sld [smem:$0x3FFD];
	_ =	sdelay $0x3  }
0xe: {  	_ =	strace s1  }
0xf: {  	_ =	strace $0x8FFFFFFF  }
0x10: {  	s19 =	sld [smem:$0x3FDB];
	_ =	sdelay $0x1  }
0x11: {  	s20 =	simm.s32 $_scs_section_size  }
0x12: {  	s4 =	simm.s32 $_size__tile_overlayer_lowered;
	s5 =	simm.s32 $_tile_overlayer_lowered  }
0x13: {  	s23 =	simm.s32 $0x1BFF;
	s22 =	sshll.u32 s5, $0x1;
	s1 =	sadd.s32 s20, s19  }
0x14: {  	s6 =	simm.s32 $0x0;
	s21 =	sshll.u32 s4, $0x1;
	s4 =	sadd.s32 s22, s1  }
0x15: {  	[timem:s6], [sflag:s23] =	dma.local [hbm:s4], s21  }
0x16: {  	_ =	swait.ge [sflag:s23], s21  }
0x17: {  	s2 =	ssub.s32 $0x0, s21;
	[sflag:s23] =	ssyncset.done $0x0  }
0x18: {  	[sflag:s23] =	ssyncadd.s32 s2;
	_ =	sdelay $0x1  }
0x19: {  	s24 =	simm.s32 $0x1B8B  }
0x1a: {  	_ =	swait.ge [sflag:s24], $0x1  }
0x1b: {  	[sflag:s24] =	ssyncset.done $0x0  }
0x1c: {  	s26 =	simm.s32 $0x1B8E;
	s25 =	sld [smem:$0x3FFE];
	[sflag:s24] =	ssyncadd.s32 $0xFFFFFFFF  }
0x1d: {  	s27 =	simm.s32 $execute0_lowered;
	[smem:$0x3FD2] =	sst s26  }
0x1e: {  	s4 =	sshll.u32 s27, $0x1;
	_ =	strace $0x80000046;
	[dreg:$0x1] =	wrdreg $0xFFFFFFFF  }
0x1f: {  	s28 =	simm.s32 $_size_execute0_lowered;
	s1 =	sadd.s32 s1, s4;
	[dreg:$0x0] =	wrdreg $0x0  }
0x20: {  	s4 =	sshll.u32 s28, $0x1;
	[dreg:$0x2] =	wrdreg s1  }
0x21: {  	[dreg:$0x3] =	wrdreg s4  }
0x22: {  	[dreg:$0x4] =	wrdreg $0xC0  }
0x23: {  	_ =	task [dreg:s6], $0x5FFFF  }
0x24: {  	[dreg:$0x1] =	wrdreg $0xFFFFFFFF  }
0x25: {  	[dreg:$0x0] =	wrdreg $0x60  }
0x26: {  	[dreg:$0x2] =	wrdreg s25  }
0x27: {  	[dreg:$0x3] =	wrdreg $0x9  }
0x28: {  	_ =	task.clear_ibuf [dreg:s6], $0x4FFFF;
	_ =	strace $0x90000046  }
0x29: {  	s29 =	simm.s32 $0x9;
	_ =	strace $0x80000048  }
0x2a: {  	_ =	swait.ge [sflag:s29], $0x1  }
0x2b: {  	[sflag:s29] =	ssyncadd.s32 $0xFFFFFFFF  }
0x2c: {  	_ =	strace $0x90000048  }
0x2d: {  	_ =	sfence  }
0x2e: {  	s30 =	sld [smem:$0x0];
	_ =	sdelay $0x2  }
0x2f: {  	s31 =	sshll.u32 s3, $0xD;
	s3 =	sshrl.u32 s3, $0x2  }
0x30: {  	s2 =	sand.u32 $0x4000, s31;
	s1 =	sadd.s32 s3, s30  }
0x31: {  	s0 =	sor.u32 s2, s0;
	s1 =	sshll.u32 s1, $0x11  }
0x32: {  	s0 =	sor.u32 s1, s0  }
0x33: {  	s0 =	sadd.s32 $0x8F2B, s0  }
0x34: {  	[sflag:s0] =	ssyncadd.remote.s32 $0x1  }
0x35: {  	_ =	sfence.sel $0xFFFF  }
0x36: {  	[dreg:$0x0] =	wrdreg $0xFFFFFFFF;
	(pc) =	sbr.abs _section_cstart, $3  }
0x37: {  	[dreg:$0x1] =	wrdreg $0xFFFFFFFF  }
0x38: {  	_ =	task.clear_ibuf [dreg:s6], $0x2FFFF;
	_ =	strace $0x9FFFFFFF  }
0x39: {  	(tm) =	ssettm $0x7FFFFFFF  }
tec
execute0_lowered:
.L_overlay_start_1:
0x0: {  	(tag) =	ssettag $0x1  }
0x1: {  	s0 =	stileid.u32;
	s1 =	srdreg.scid  }
0x2: {  	s2 =	sshll.u32 s0, $0x7;
	s1 =	sshll.u32 s1, $0xB  }
0x3: {  	s1 =	sor.u32 s2, s1  }
0x4: {  	s8 =	simm.s32 $0x2;
	s18 =	simm.s32 $0x0;
	s1 =	sand.u32 $0xF00, s1  }
0x5: {  	s9 =	simm.s32 $0x80;
	s2 =	sand.u32 $0x1, s0;
	s3 =	ssub.s32 $0x2000, s1  }
0x6: {  	s15 =	simm.s32 $0x0;
	s4 =	ssub.s32 $0x2, s2;
	s5 =	sand.u32 $0xF00, s3  }
0x7: {  	s6 =	sshrl.u32 s4, $0x1;
	p0 =	sne.s32 s5, $0x0;
	s5 =	simm.s32 $0x1  }
0x8: {  	s4 =	sand.u32 $0x1, s4;
	s3 =	sshrl.u32 s3, $0xC;
	s5 =	simm.s32 @!p0 $0x0  }
0x9: {  	s16 =	simm.s32 $0x0;
	s6 =	sadd.s32 s4, s6;
	s3 =	sadd.s32 s5, s3  }
0xa: {  	s17 =	simm.s32 $0x0;
	s11 =	simm.s32 $0x0;
	s6 =	smul.u32 s3, s6  }
.Ltmp0:
0xb: {  	s13 =	simm.s32 $0x0;
	s14 =	simm.s32 $0x0;
	(pc) =	sbr.rel .LBB1_1-.Ltmp0, $4  }
0xc: {  	s12 =	smov.u32 s2;
	s4 =	rddreg [dreg:$0x0];
	s5 =	simm.s32 $0x1  }
0xd: {  	s3 =	rddreg [dreg:$0x1];
	_ =	strace $0x80000047;
	s6 =	smul.u32 $0xC, s6  }
0xe: {  	s10 =	smov.u32 s1;
	s7 =	sadd.s32 $0x180000, s4;
	[sflag:s5] =	ssyncpa.u1 $0x0  }
0xf: {  	p0 =	por $0x0, $0x0;
	[sflag:s8] =	ssyncpa.u1 $0x0;
	s8 =	sor.u32 $0x1, s6  }
.LBB1_4:
0x10: {  	_ = 	snop  }
0x11: {  	[tilespmem:s23+$0x1860 ss:$0x41] =	vst.msk $0xffff, v8  }
0x12: {  	[tilespmem:s23+$0x1C70 ss:$0x41] =	vst.msk $0xffff, v7  }
0x13: {  	[tilespmem:s23+$0x2490 ss:$0x41] =	vst.msk $0xffff, v1  }
0x14: {  	s26 =	sor.u32 s29, s28;
	v47 =	vld.idx.msk [tilespmem:v0+s21+$0x470 ss:$0x1], $0xffff;
	[tilespmem:s23+$0x28A0 ss:$0x41] =	vst.msk $0xffff, v2  }
0x15: {  	[tilespmem:s23+$0x2CB0 ss:$0x41] =	vst.msk $0xffff, v3;
	v57 =	vld.idx.msk [tilespmem:v0+s26+$0x410 ss:$0x1], $0xffff  }
0x16: {  	[tilespmem:s23+$0x30C0 ss:$0x41] =	vst.msk $0xffff, v4;
	s27 =	sand.u32 $0x3B00, s26;
	v58 =	vld.idx.msk [tilespmem:v0+s26+$0x420 ss:$0x1], $0xffff  }
0x17: {  	s25 =	sand.u32 $0x80, s25;
	[tilespmem:s23+$0x34D0 ss:$0x41] =	vst.msk $0xffff, v5;
	v59 =	vld.idx.msk [tilespmem:v0+s26+$0x430 ss:$0x1], $0xffff;
	s20 =	sadd.s32 s27, s20  }
0x18: {  	[tilespmem:s23+$0x38E0 ss:$0x41] =	vst.msk $0xffff, v6;
	v60 =	vld.idx.msk [tilespmem:v0+s26+$0x440 ss:$0x1], $0xffff;
	s20 =	sadd.s32 s25, s20;
	s25 =	sshra.s32 s24, $0x2  }
0x19: {  	v61 =	vld.idx.msk [tilespmem:v0+s26+$0x450 ss:$0x1], $0xffff;
	s21 =	sadd.s32 s25, s22;
	[tilespmem:s23+$0x3CF0 ss:$0x41] =	vst.msk $0xffff, v47  }
0x1a: {  	v62 =	vld.idx.msk [tilespmem:v0+s26+$0x460 ss:$0x1], $0xffff;
	[tilespmem:s21+$0x2490 ss:$0x41] =	vst.msk $0xffff, v57  }
0x1b: {  	v63 =	vld.idx.msk [tilespmem:v0+s26+$0x470 ss:$0x1], $0xffff;
	[tilespmem:s21+$0x28A0 ss:$0x41] =	vst.msk $0xffff, v58  }
0x1c: {  	v48 =	vld [tilespmem:s20+$0x400];
	[tilespmem:s21+$0x2CB0 ss:$0x41] =	vst.msk $0xffff, v59  }
0x1d: {  	v49 =	vld [tilespmem:s20+$0x0];
	[tilespmem:s21+$0x30C0 ss:$0x41] =	vst.msk $0xffff, v60  }
0x1e: {  	v50 =	vld [tilespmem:s20+$0x10];
	[tilespmem:s21+$0x34D0 ss:$0x41] =	vst.msk $0xffff, v61  }
0x1f: {  	v51 =	vld [tilespmem:s20+$0x20];
	[tilespmem:s21+$0x38E0 ss:$0x41] =	vst.msk $0xffff, v62  }
0x20: {  	v52 =	vld [tilespmem:s20+$0x30];
	[tilespmem:s21+$0x3CF0 ss:$0x41] =	vst.msk $0xffff, v63  }
0x21: {  	v53 =	vld [tilespmem:s20+$0x40];
	[tilespmem:s21+$0x2080 ss:$0x41] =	vst.msk $0xffff, v48  }
0x22: {  	v54 =	vld [tilespmem:s20+$0x50];
	[tilespmem:s21+$0x0 ss:$0x41] =	vst.msk $0xffff, v49  }
0x23: {  	s18 =	sshll.u32 s18, $0x7;
	s16 =	smul.u32 $0x180000, s16;
	s27 =	sshll.u32 s15, $0x3;
	v55 =	vld [tilespmem:s20+$0x60];
	[tilespmem:s21+$0x410 ss:$0x41] =	vst.msk $0xffff, v50  }
0x24: {  	s17 =	sshll.u32 s17, $0x11;
	s28 =	sand.u32 $0xFFC00, s18;
	v56 =	vld [tilespmem:s20+$0x70];
	s20 =	sand.u32 $0xFFC00, s27;
	[tilespmem:s21+$0x820 ss:$0x41] =	vst.msk $0xffff, v51  }
0x25: {  	s29 =	sshrl.u32 s15, $0x3;
	s18 =	sand.u32 $0x380, s18;
	s20 =	sadd.s32 s20, s28;
	[tilespmem:s21+$0xC30 ss:$0x41] =	vst.msk $0xffff, v52  }
0x26: {  	s30 =	sand.u32 $0x7, s15;
	s17 =	sadd.s32 s7, s17;
	s18 =	sor.u32 s18, s20;
	[tilespmem:s21+$0x1040 ss:$0x41] =	vst.msk $0xffff, v53  }
0x27: {  	s16 =	sadd.s32 s16, s17;
	s20 =	sand.u32 $0xF, s29;
	s18 =	sshrl.u32 s18, $0x3;
	[tilespmem:s21+$0x1450 ss:$0x41] =	vst.msk $0xffff, v54  }
0x28: {  	s15 =	sshll.u32 s30, $0x12;
	s16 =	sadd.s32 s20, s16;
	s31 =	sand.u32 $0x1FFF0, s18;
	[tilespmem:s21+$0x1860 ss:$0x41] =	vst.msk $0xffff, v55  }
0x29: {  	s15 =	sor.u32 $0x40, s15;
	[tilespmem:s21+$0x1C70 ss:$0x41] =	vst.msk $0xffff, v56;
	s16 =	sadd.s32 s31, s16  }
0x2a: {  	[hbm4b:s16+s15] =	stream.strided.scatter [tilespmem:s19], [sflag:$0x2], $0x4000, s9, s15, $0x18;
	[tilespmem:$0x10200] =	vst v63  }
.LBB1_5:
0x2b: {  	s19 =	sadd.s32 $0x1000, s10  }
0x2c: {  	s15 =	sadd.s32 $0x40, s11;
	s20 =	smov.u32 s11;
	p2 =	sgt.s32 s19, $0x1FFF  }
0x2d: {  	s20 =	smov.u32 @p2 s15  }
0x2e: {  	s21 =	smov.u32 s12;
	s15 =	sadd.s32 $0x2, s12;
	p3 =	sgt.s32 s20, $0x3F  }
0x2f: {  	s21 =	smov.u32 @p3 s15  }
0x30: {  	s15 =	simm.s32 $0x1;
	p4 =	sgt.s32 s21, $0x1  }
0x31: {  	s15 =	simm.s32 @!p4 $0x0  }
0x32: {  	p1 =	slt.u32 s14, $0x2;
	s23 =	sadd.s32 s15, s13  }
0x33: {  	s18 =	smov.u32 s10;
	s19 =	smov.u32 @p2 s1;
	p2 =	sgt.s32 s23, $0xB  }
0x34: {  	s22 =	simm.s32 @!p1 $0x2;
	s23 =	simm.s32 @p2 $0x0;
	p2 =	sne.s32 s14, s8  }
.Ltmp1:
0x35: {  	s16 =	smov.u32 s12;
	_ =	swait.ge @!p1 [sflag:s22], $0x4000;
	(pc) =	sbr.rel @!p2 .LBB1_6-.Ltmp1, $4  }
0x36: {  	s17 =	smov.u32 s13;
	p0 =	por !p0, !p0;
	[sflag:s22] =	ssyncset.done @!p1 $0x0  }
0x37: {  	s10 =	smov.u32 s19;
	s20 =	simm.s32 @p3 $0x0;
	[sflag:s22] =	ssyncadd.s32 @!p1 $0xFFFFC000  }
0x38: {  	s21 =	smov.u32 @p4 s2;
	s15 =	smov.u32 s11;
	s11 =	smov.u32 s20  }
0x39: {  	s12 =	smov.u32 s21;
	s14 =	sadd.s32 $0x1, s14;
	s13 =	smov.u32 s23  }
.LBB1_1:
0x3a: {  	p1 =	sge.u32 s14, s6  }
0x3b: {  	s31 =	sadd.s32 $0xFFFFFFFF, s14;
	s19 =	sxor.u32 @!p1 $0xFFFFFFFF, s14;
	s20 =	sand.u32 @!p1 $0x78, s10  }
0x3c: {  	s21 =	sshll.u32 @!p1 s11, $0x7;
	s22 =	sshll.u32 @!p1 s11, $0xD;
	s23 =	sshll.u32 @!p1 s10, $0x3  }
0x3d: {  	s19 =	sshll.u32 @!p1 s19, $0xE;
	s21 =	sand.u32 @!p1 $0x380, s21;
	s22 =	sand.u32 @!p1 $0x70000, s22  }
0x3e: {  	s19 =	sand.u32 @!p1 $0x4000, s19;
	s20 =	sor.u32 @!p1 s21, s20;
	s21 =	sand.u32 @!p1 $0x1C00, s23  }
0x3f: {  	s22 =	sadd.s32 @!p1 s22, s23;
	s20 =	sor.u32 @!p1 s21, s20;
	s21 =	sshll.u32 @!p1 s13, $0x11  }
0x40: {  	s23 =	sshll.u32 @!p1 s12, $0x10;
	s22 =	sshrl.u32 @!p1 s22, $0x3;
	s21 =	sadd.s32 @!p1 s4, s21  }
0x41: {  	s22 =	sand.u32 @!p1 $0xFC00, s22;
	s21 =	sadd.s32 @!p1 s23, s21;
	s23 =	sand.u32 @!p1 $0x7, s10  }
0x42: {  	s20 =	sshrl.u32 @!p1 s20, $0x3;
	s21 =	sadd.s32 @!p1 s22, s21;
	s22 =	sshll.u32 @!p1 s23, $0x12  }
0x43: {  	s20 =	sadd.s32 @!p1 s20, s21;
	s21 =	sor.u32 @!p1 $0x800, s22;
	s22 =	simm.s32 @!p1 $0x10000  }
0x44: {  	[tilespmem:s19], [sflag:$0x1] =	stream.strided.gather @!p1 [hbm4b:s20+s21], $0x4000, s22, s21, $0x38;
	[tilespmem:$0x10200] =	vst v63  }
0x45: {  	p1 =	sge.u32 s31, s6  }
.Ltmp2:
0x46: {  	_ = 	snop;
	(pc) =	sbr.rel @p1 .LBB1_5-.Ltmp2, $1  }
0x47: {  	_ =	sdelay $0x3  }
0x48: {  	s22 =	simm.s32 $0x0  }
0x49: {  	s21 =	sand.u32 $0x3800, s22;
	s23 =	sand.u32 $0x380, s22  }
0x4a: {  	s19 =	sand.u32 $0x1, s14;
	s21 =	sor.u32 s23, s21  }
0x4b: {  	_ =	swait.ge [sflag:s5], $0x4000;
	s20 =	sshll.u32 s19, $0xE;
	s23 =	sand.u32 $0x3B00, s21  }
0x4c: {  	[sflag:s5] =	ssyncset.done $0x0;
	s22 =	sand.u32 $0x80, s22;
	s23 =	sadd.s32 s23, s20  }
0x4d: {  	[sflag:s5] =	ssyncadd.s32 $0xFFFFC000;
	s25 =	sadd.s32 s22, s23  }
0x4e: {  	v4 =	vld [tilespmem:s25+$0x400]  }
0x4f: {  	s24 =	simm.s32 $0x1;
	v5 =	vld [tilespmem:s25+$0x0]  }
0x50: {  	s24 =	simm.s32 @!p0 $0x0;
	v6 =	vld [tilespmem:s25+$0x10]  }
0x51: {  	v0 =	vmov s20;
	s31 =	smul.u32 $0x10400, s24;
	v7 =	vld [tilespmem:s25+$0x20]  }
0x52: {  	v9 =	vld [tilespmem:s25+$0x30]  }
0x53: {  	s22 =	sshrl.u32 s31, $0x2;
	v10 =	vld [tilespmem:s25+$0x40]  }
0x54: {  	s22 =	sor.u32 $0x8000, s22;
	v11 =	vld [tilespmem:s25+$0x50]  }
0x55: {  	v8 =	vld [tilespmem:s25+$0x60];
	s23 =	sadd.s32 $0x0, s22  }
0x56: {  	v1 =	vld.idx.msk [tilespmem:v0+s21+$0x410 ss:$0x1], $0xffff;
	[tilespmem:s23+$0x2080 ss:$0x41] =	vst.msk $0xffff, v4  }
0x57: {  	v2 =	vld.idx.msk [tilespmem:v0+s21+$0x420 ss:$0x1], $0xffff;
	[tilespmem:s23+$0x0 ss:$0x41] =	vst.msk $0xffff, v5  }
0x58: {  	v3 =	vld.idx.msk [tilespmem:v0+s21+$0x430 ss:$0x1], $0xffff;
	[tilespmem:s23+$0x410 ss:$0x41] =	vst.msk $0xffff, v6  }
0x59: {  	s19 =	smul.u32 $0x10400, s19;
	[tilespmem:s23+$0x820 ss:$0x41] =	vst.msk $0xffff, v7;
	v7 =	vld [tilespmem:s25+$0x70]  }
0x5a: {  	s26 =	simm.s32 $0x100;
	s27 =	simm.s32 $0x8;
	[tilespmem:s23+$0xC30 ss:$0x41] =	vst.msk $0xffff, v9;
	v4 =	vld.idx.msk [tilespmem:v0+s21+$0x440 ss:$0x1], $0xffff  }
0x5b: {  	s28 =	sand.u32 $0x3800, s26;
	s19 =	sshrl.u32 s19, $0x2;
	[tilespmem:s23+$0x1040 ss:$0x41] =	vst.msk $0xffff, v10;
	v5 =	vld.idx.msk [tilespmem:v0+s21+$0x450 ss:$0x1], $0xffff;
	s25 =	simm.s32 $0x80  }
0x5c: {  	s24 =	simm.s32 $0x4;
	s19 =	sor.u32 $0x8000, s19;
	[tilespmem:s23+$0x1450 ss:$0x41] =	vst.msk $0xffff, v11;
	v6 =	vld.idx.msk [tilespmem:v0+s21+$0x460 ss:$0x1], $0xffff;
	s29 =	sand.u32 $0x380, s25  }
.LBB1_3:
0x5d: {  	p1 =	sne.s32 s27, $0xFC;
	[tilespmem:s23+$0x1860 ss:$0x41] =	vst.msk $0xffff, v8;
	v8 =	vld.idx.msk [tilespmem:v0+s21+$0x470 ss:$0x1], $0xffff;
	s21 =	sor.u32 s29, s28  }
0x5e: {  	s28 =	sand.u32 $0x3B00, s21;
	v9 =	vld.idx.msk [tilespmem:v0+s21+$0x410 ss:$0x1], $0xffff;
	[tilespmem:s23+$0x1C70 ss:$0x41] =	vst.msk $0xffff, v7  }
0x5f: {  	s29 =	sand.u32 $0x80, s25;
	s28 =	sadd.s32 s28, s20;
	v7 =	vld.idx.msk [tilespmem:v0+s21+$0x420 ss:$0x1], $0xffff;
	[tilespmem:s23+$0x2490 ss:$0x41] =	vst.msk $0xffff, v1  }
0x60: {  	s28 =	sadd.s32 s29, s28;
	v10 =	vld.idx.msk [tilespmem:v0+s21+$0x430 ss:$0x1], $0xffff;
	[tilespmem:s23+$0x28A0 ss:$0x41] =	vst.msk $0xffff, v2  }
0x61: {  	v11 =	vld [tilespmem:s28+$0x400];
	[tilespmem:s23+$0x2CB0 ss:$0x41] =	vst.msk $0xffff, v3  }
0x62: {  	v12 =	vld [tilespmem:s28+$0x0];
	[tilespmem:s23+$0x30C0 ss:$0x41] =	vst.msk $0xffff, v4  }
0x63: {  	v4 =	vld [tilespmem:s28+$0x10];
	[tilespmem:s23+$0x34D0 ss:$0x41] =	vst.msk $0xffff, v5  }
0x64: {  	s29 =	sshra.s32 s24, $0x2;
	s24 =	smov.u32 s27;
	v1 =	vmov v9;
	v5 =	vld [tilespmem:s28+$0x20];
	[tilespmem:s23+$0x38E0 ss:$0x41] =	vst.msk $0xffff, v6  }
0x65: {  	v2 =	vmov v7;
	v6 =	vld [tilespmem:s28+$0x30];
	[tilespmem:s23+$0x3CF0 ss:$0x41] =	vst.msk $0xffff, v8;
	s23 =	sadd.s32 s29, s22  }
0x66: {  	v3 =	vmov v10;
	v9 =	vld [tilespmem:s28+$0x40];
	[tilespmem:s23+$0x2080 ss:$0x41] =	vst.msk $0xffff, v11  }
0x67: {  	[tilespmem:s23+$0x0 ss:$0x41] =	vst.msk $0xffff, v12;
	v10 =	vld [tilespmem:s28+$0x50]  }
.Ltmp3:
0x68: {  	[tilespmem:s23+$0x410 ss:$0x41] =	vst.msk $0xffff, v4;
	v8 =	vld [tilespmem:s28+$0x60];
	(pc) =	sbr.rel @p1 .LBB1_3-.Ltmp3, $4  }
0x69: {  	[tilespmem:s23+$0x820 ss:$0x41] =	vst.msk $0xffff, v5;
	v7 =	vld [tilespmem:s28+$0x70]  }
0x6a: {  	[tilespmem:s23+$0xC30 ss:$0x41] =	vst.msk $0xffff, v6;
	v4 =	vld.idx.msk [tilespmem:v0+s21+$0x440 ss:$0x1], $0xffff  }
0x6b: {  	s25 =	sadd.s32 $0x80, s25;
	s26 =	sadd.s32 $0x100, s26;
	[tilespmem:s23+$0x1040 ss:$0x41] =	vst.msk $0xffff, v9;
	v5 =	vld.idx.msk [tilespmem:v0+s21+$0x450 ss:$0x1], $0xffff  }
0x6c: {  	s27 =	sadd.s32 $0x4, s27;
	s29 =	sand.u32 $0x380, s25;
	s28 =	sand.u32 $0x3800, s26;
	[tilespmem:s23+$0x1450 ss:$0x41] =	vst.msk $0xffff, v10;
	v6 =	vld.idx.msk [tilespmem:v0+s21+$0x460 ss:$0x1], $0xffff  }
.Ltmp4:
0x6d: {  	_ = 	snop;
	(pc) =	sbr.rel .LBB1_4-.Ltmp4, $1  }
0x6e: {  	_ =	sdelay $0x3  }
.LBB1_6:
0x6f: {  	_ =	sfence.sel $0x180000  }
0x70: {  	s1 =	simm.s32 $0x1;
	[bflag:$0x0] =	sbarrier.arrive $0xFFFF  }
0x71: {  	s31 =	simm.s32 $0x2;
	[sflag:s1] =	ssyncpa.u1 $0x1  }
0x72: {  	[sflag:s31] =	ssyncpa.u1 $0x1  }
0x73: {  	p0 =	sne.s32 s0, $0x0;
	_ =	strace $0x90000047  }
0x74: {  	s0 =	sadd.s32 @!p0 $0x100000, s3;
	[bflag:$0x2] =	sbarrier.arrive $0xFFFF  }
0x75: {  	[sflag:s0] =	ssyncadd.tile.s32 @!p0 $0x1;
	_ =	shalt  }
.Lfunc_end1:
_tile_overlayer_lowered:
.L_overlay_start_2:
0x76: {  	(tag) =	ssettag $0x2  }
0x77: {  	s0 =	rddreg [dreg:$0x0];
	s2 =	stileid.u32  }
0x78: {  	s1 =	rddreg [dreg:$0x1];
	p0 =	sne.s32 s2, $0x0  }
0x79: {  	s3 =	rddreg [dreg:$0x2];
	[bflag:$0x3] =	sbarrier.arrive $0xFFFF;
	s2 =	simm.s32 @!p0 $0x1C01  }
0x7a: {  	[timem:s3], [sflag:s2] =	dma.local @!p0 [hbm:s0], s1  }
0x7b: {  	s0 =	simm.s32 @!p0 $0x1  }
0x7c: {  	_ =	swait.ge @!p0 [sflag:s0], s1  }
0x7d: {  	s1 =	ssub.s32 @!p0 $0x0, s1;
	[sflag:s0] =	ssyncset.done @!p0 $0x0  }
0x7e: {  	[sflag:s0] =	ssyncadd.s32 @!p0 s1  }
0x7f: {  	[bflag:$0x3] =	sbarrier.arrive $0xFFFF  }
0x80: {  	_ =	shalt  }

</sc_bundles>
